<compile_context>
chip_gen: v7x
topology: tpu7x:2x2x1
jax: 0.10.2.dev20260603
libtpu: 0.0.44.dev20260713+nightly
codegen_flags: <defaults>
</compile_context>

<pallas_src>
import jax
import jax.numpy as jnp
from jax import lax
from jax.experimental import pallas as pl
from jax.experimental.pallas import tpu as pltpu
from jax.experimental.pallas import tpu_sc as plsc

_N = 10000
_D = 128
_E = 320000
_G = 64
_OUT = 10

_NC = 2
_NS = 16
_NW = _NC * _NS
_CH = 128
_EPW = _E // _NW
_NCH = -(-_EPW // _CH)
_EPW_PAD = _NCH * _CH
_NPAD = 10112
_RPS = _NPAD // _NS

_BLK = 5000


def _sc_agg_body(h_hbm, src_hbm, dst_hbm, zero_hbm, out_hbm,
                 src_v, dst_v, rows_v, agg_sh, sem):
    c = lax.axis_index("c")
    s = lax.axis_index("s")
    wid = c * _NS + s
    pltpu.sync_copy(src_hbm.at[wid], src_v)
    pltpu.sync_copy(dst_hbm.at[wid], dst_v)
    pltpu.sync_copy(zero_hbm, agg_sh.at[pl.ds(s * _RPS, _RPS)])
    plsc.subcore_barrier()

    def body(j, carry):
        pltpu.async_copy(h_hbm.at[src_v.at[j]], rows_v, sem).wait()
        pltpu.sync_copy(rows_v, agg_sh.at[dst_v.at[j]], add=True)
        return carry

    lax.fori_loop(0, _NCH, body, 0)
    plsc.subcore_barrier()
    pltpu.sync_copy(agg_sh.at[pl.ds(s * _RPS, _RPS)],
                    out_hbm.at[c].at[pl.ds(s * _RPS, _RPS)])


_sc_agg = pl.kernel(
    _sc_agg_body,
    out_type=jax.ShapeDtypeStruct((_NC, _NPAD, _D), jnp.float32),
    mesh=plsc.VectorSubcoreMesh(core_axis_name="c", subcore_axis_name="s",
                                num_cores=_NC, num_subcores=_NS),
    scratch_types=[
        pltpu.VMEM((_NCH, _CH), jnp.int32),
        pltpu.VMEM((_NCH, _CH), jnp.int32),
        pltpu.VMEM((_CH, _D), jnp.float32),
        pltpu.VMEM_SHARED((_NPAD, _D), jnp.float32),
        pltpu.SemaphoreType.DMA,
    ],
)


def _mm_stats_body(eps_ref, h_ref, a_ref, w_ref, u_ref, s_ref):
    i = pl.program_id(0)
    z = h_ref[...] * eps_ref[0, 0] + a_ref[0] + a_ref[1]
    u = jnp.dot(z, w_ref[...], preferred_element_type=jnp.float32)
    u_ref[...] = u
    st = jnp.concatenate(
        [jnp.sum(u, axis=0, keepdims=True),
         jnp.sum(u * u, axis=0, keepdims=True)], axis=0)

    @pl.when(i == 0)
    def _():
        s_ref[...] = st

    @pl.when(i > 0)
    def _():
        s_ref[...] += st


def _mm_stats(epsb, h, agg, wt):
    return pl.pallas_call(
        _mm_stats_body,
        grid=(_N // _BLK,),
        in_specs=[
            pl.BlockSpec(memory_space=pltpu.SMEM),
            pl.BlockSpec((_BLK, _D), lambda i: (i, 0)),
            pl.BlockSpec((_NC, _BLK, _D), lambda i: (0, i, 0)),
            pl.BlockSpec((_D, _D), lambda i: (0, 0)),
        ],
        out_specs=[
            pl.BlockSpec((_BLK, _D), lambda i: (i, 0)),
            pl.BlockSpec((2, _D), lambda i: (0, 0)),
        ],
        out_shape=[
            jax.ShapeDtypeStruct((_N, _D), jnp.float32),
            jax.ShapeDtypeStruct((2, _D), jnp.float32),
        ],
    )(epsb, h, agg, wt)


def _bn_coeffs(s_ref, g_ref, b_ref):
    mean = s_ref[0:1, :] * (1.0 / _N)
    var = s_ref[1:2, :] * (1.0 / _N) - mean * mean
    inv = lax.rsqrt(var + 1e-5)
    scale = g_ref[...] * inv
    shift = b_ref[...] - mean * scale
    return scale, shift


def _bn_relu_mm_body(s_ref, g_ref, b_ref, u_ref, w_ref, v_ref, s2_ref):
    i = pl.program_id(0)
    scale, shift = _bn_coeffs(s_ref, g_ref, b_ref)
    r = jnp.maximum(u_ref[...] * scale + shift, 0.0)
    v = jnp.dot(r, w_ref[...], preferred_element_type=jnp.float32)
    v_ref[...] = v
    st = jnp.concatenate(
        [jnp.sum(v, axis=0, keepdims=True),
         jnp.sum(v * v, axis=0, keepdims=True)], axis=0)

    @pl.when(i == 0)
    def _():
        s2_ref[...] = st

    @pl.when(i > 0)
    def _():
        s2_ref[...] += st


def _bn_relu_mm(s1, g, b, u, wt):
    return pl.pallas_call(
        _bn_relu_mm_body,
        grid=(_N // _BLK,),
        in_specs=[
            pl.BlockSpec((2, _D), lambda i: (0, 0)),
            pl.BlockSpec((1, _D), lambda i: (0, 0)),
            pl.BlockSpec((1, _D), lambda i: (0, 0)),
            pl.BlockSpec((_BLK, _D), lambda i: (i, 0)),
            pl.BlockSpec((_D, _D), lambda i: (0, 0)),
        ],
        out_specs=[
            pl.BlockSpec((_BLK, _D), lambda i: (i, 0)),
            pl.BlockSpec((2, _D), lambda i: (0, 0)),
        ],
        out_shape=[
            jax.ShapeDtypeStruct((_N, _D), jnp.float32),
            jax.ShapeDtypeStruct((2, _D), jnp.float32),
        ],
    )(s1, g, b, u, wt)


def _bn_relu_body(s_ref, g_ref, b_ref, v_ref, h_ref):
    scale, shift = _bn_coeffs(s_ref, g_ref, b_ref)
    h_ref[...] = jnp.maximum(v_ref[...] * scale + shift, 0.0)


def _bn_relu(s2, g, b, v):
    return pl.pallas_call(
        _bn_relu_body,
        grid=(_N // _BLK,),
        in_specs=[
            pl.BlockSpec((2, _D), lambda i: (0, 0)),
            pl.BlockSpec((1, _D), lambda i: (0, 0)),
            pl.BlockSpec((1, _D), lambda i: (0, 0)),
            pl.BlockSpec((_BLK, _D), lambda i: (i, 0)),
        ],
        out_specs=pl.BlockSpec((_BLK, _D), lambda i: (i, 0)),
        out_shape=jax.ShapeDtypeStruct((_N, _D), jnp.float32),
    )(s2, g, b, v)


def _readout_body(s_ref, g_ref, b_ref, bat_ref, v_ref, wm1_ref, bm1_ref,
                  wm2_ref, bm2_ref, lg_ref, ge_ref, ne_ref,
                  sums_ref, cnts_ref):
    i = pl.program_id(0)

    @pl.when(i == 0)
    def _():
        sums_ref[...] = jnp.zeros_like(sums_ref)
        cnts_ref[...] = jnp.zeros_like(cnts_ref)

    scale, shift = _bn_coeffs(s_ref, g_ref, b_ref)
    h = jnp.maximum(v_ref[...] * scale + shift, 0.0)
    ne_ref[...] = h
    b = bat_ref[0]
    ids = lax.broadcasted_iota(jnp.int32, (_G, _BLK), 0)
    oh = (b == ids).astype(jnp.float32)
    sums_ref[...] += jnp.dot(oh, h, preferred_element_type=jnp.float32)
    cnts_ref[...] += jnp.broadcast_to(
        jnp.sum(oh, axis=1, keepdims=True), (_G, _D))

    @pl.when(i == pl.num_programs(0) - 1)
    def _():
        ge = sums_ref[...] / jnp.maximum(cnts_ref[...], 1.0)
        ge_ref[...] = ge
        z = jnp.dot(ge, wm1_ref[...], preferred_element_type=jnp.float32)
        z = z + bm1_ref[...]
        z = jnp.where(z > 0.0, z, jnp.exp(jnp.minimum(z, 0.0)) - 1.0)
        lg_ref[...] = (jnp.dot(z, wm2_ref[...],
                               preferred_element_type=jnp.float32)
                       + bm2_ref[...])


def _readout(s2, g, b, bat3, v, wm1t, bm1r, wm2tp, bm2p):
    return pl.pallas_call(
        _readout_body,
        grid=(_N // _BLK,),
        in_specs=[
            pl.BlockSpec((2, _D), lambda i: (0, 0)),
            pl.BlockSpec((1, _D), lambda i: (0, 0)),
            pl.BlockSpec((1, _D), lambda i: (0, 0)),
            pl.BlockSpec((1, 1, _BLK), lambda i: (i, 0, 0)),
            pl.BlockSpec((_BLK, _D), lambda i: (i, 0)),
            pl.BlockSpec((_D, _D), lambda i: (0, 0)),
            pl.BlockSpec((1, _D), lambda i: (0, 0)),
            pl.BlockSpec((_D, _D), lambda i: (0, 0)),
            pl.BlockSpec((1, _D), lambda i: (0, 0)),
        ],
        out_specs=[
            pl.BlockSpec((_G, _D), lambda i: (0, 0)),
            pl.BlockSpec((_G, _D), lambda i: (0, 0)),
            pl.BlockSpec((_BLK, _D), lambda i: (i, 0)),
        ],
        out_shape=[
            jax.ShapeDtypeStruct((_G, _D), jnp.float32),
            jax.ShapeDtypeStruct((_G, _D), jnp.float32),
            jax.ShapeDtypeStruct((_N, _D), jnp.float32),
        ],
        scratch_shapes=[
            pltpu.VMEM((_G, _D), jnp.float32),
            pltpu.VMEM((_G, _D), jnp.float32),
        ],
    )(s2, g, b, bat3, v, wm1t, bm1r, wm2tp, bm2p)


def kernel(x, edge_index, batch,
           eps1, W1a, g1a, b1a, W1b, g1b, b1b,
           eps2, W2a, g2a, b2a, W2b, g2b, b2b,
           eps3, W3a, g3a, b3a, W3b, g3b, b3b,
           Wm1, bm1, Wm2, bm2):
    src_w = edge_index[0].reshape(_NW, _EPW)
    dst_w = edge_index[1].reshape(_NW, _EPW)
    pad = _EPW_PAD - _EPW
    src3 = jnp.pad(src_w, ((0, 0), (0, pad))).reshape(_NW, _NCH, _CH)
    dst3 = jnp.pad(dst_w, ((0, 0), (0, pad)),
                   constant_values=_N).reshape(_NW, _NCH, _CH)
    zero_rows = jnp.zeros((_RPS, _D), jnp.float32)

    h = x
    for (eps, Wa, ga, ba, Wb, gb, bb) in (
            (eps1, W1a, g1a, b1a, W1b, g1b, b1b),
            (eps2, W2a, g2a, b2a, W2b, g2b, b2b),
            (eps3, W3a, g3a, b3a, W3b, g3b, b3b)):
        agg = _sc_agg(h, src3, dst3, zero_rows)
        epsb = jnp.reshape(1.0 + eps, (1, 1))
        u, s1 = _mm_stats(epsb, h, agg, Wa.T)
        v, s2 = _bn_relu_mm(s1, ga.reshape(1, _D), ba.reshape(1, _D), u, Wb.T)
        if gb is not g3b:
            h = _bn_relu(s2, gb.reshape(1, _D), bb.reshape(1, _D), v)

    bat3 = batch.reshape(_N // _BLK, 1, _BLK)
    wm2tp = jnp.zeros((_D, _D), jnp.float32).at[:, :_OUT].set(Wm2.T)
    bm2p = jnp.zeros((1, _D), jnp.float32).at[0, :_OUT].set(bm2)
    logits_f, graph_emb, node_emb = _readout(
        s2, g3b.reshape(1, _D), b3b.reshape(1, _D), bat3, v, Wm1.T,
        bm1.reshape(1, _D), wm2tp, bm2p)
    return (logits_f[:, :_OUT], graph_emb, node_emb)

# --- scband reference (transcript-rebuilt; emitter-appended) ---
"""Pipeline reference for scband-ginnet-78039555768841 (READ-ONLY COPY).

The authoritative reference and input builder live on the scoring server;
editing this copy changes nothing except your own understanding.
"""

import jax, jax.numpy as jnp
import numpy as np

N = 10000
E = 320000
D = 128
G = 64
OUT = 10
MLP_H = 128


def setup_inputs(seed: int = 0) -> dict:
    key = jax.random.key(seed)
    ks = jax.random.split(key, 32)
    inp = {}
    inp['x'] = jax.random.normal(ks[0], (N, D), dtype=jnp.float32)
    inp['edge_index'] = jax.random.randint(ks[1], (2, E), 0, N, dtype=jnp.int32)
    inp['batch'] = jnp.sort(jax.random.randint(ks[2], (N,), 0, G, dtype=jnp.int32))
    s = 1.0 / np.sqrt(D)
    i = 3
    for l in (1, 2, 3):
        inp['eps%d' % l] = jnp.zeros((), dtype=jnp.float32)
        inp['W%da' % l] = jax.random.normal(ks[i], (D, D), dtype=jnp.float32) * s; i += 1
        inp['g%da' % l] = jnp.ones((D,), dtype=jnp.float32)
        inp['b%da' % l] = jnp.zeros((D,), dtype=jnp.float32)
        inp['W%db' % l] = jax.random.normal(ks[i], (D, D), dtype=jnp.float32) * s; i += 1
        inp['g%db' % l] = jnp.ones((D,), dtype=jnp.float32)
        inp['b%db' % l] = jnp.zeros((D,), dtype=jnp.float32)
    inp['Wm1'] = jax.random.normal(ks[i], (MLP_H, D), dtype=jnp.float32) * s; i += 1
    inp['bm1'] = jnp.zeros((MLP_H,), dtype=jnp.float32)
    inp['Wm2'] = jax.random.normal(ks[i], (OUT, MLP_H), dtype=jnp.float32) * (1.0 / np.sqrt(MLP_H)); i += 1
    inp['bm2'] = jnp.zeros((OUT,), dtype=jnp.float32)
    return inp


def _bn(h, g, b):
    mu = jnp.mean(h, axis=0)
    var = jnp.var(h, axis=0)
    return g * (h - mu) / jnp.sqrt(var + 1e-5) + b


def _gin(h, src, dst, eps, Wa, ga, ba, Wb, gb, bb):
    # GINConv with train_eps: (1+eps)*x + sum_{j in N(i)} x_j, then MLP (Linear-BN-ReLU-Linear-BN)
    agg = jnp.zeros_like(h).at[dst].add(h[src])
    z = (1.0 + eps) * h + agg
    z = _bn(z @ Wa.T, ga, ba)
    z = jax.nn.relu(z)
    z = _bn(z @ Wb.T, gb, bb)
    return z


def reference(x, edge_index, batch,
              eps1, W1a, g1a, b1a, W1b, g1b, b1b,
              eps2, W2a, g2a, b2a, W2b, g2b, b2b,
              eps3, W3a, g3a, b3a, W3b, g3b, b3b,
              Wm1, bm1, Wm2, bm2):
    src = edge_index[0]
    dst = edge_index[1]
    h = x
    layers = ((eps1, W1a, g1a, b1a, W1b, g1b, b1b),
              (eps2, W2a, g2a, b2a, W2b, g2b, b2b),
              (eps3, W3a, g3a, b3a, W3b, g3b, b3b))
    for (eps, Wa, ga, ba, Wb, gb, bb) in layers:
        h = _gin(h, src, dst, eps, Wa, ga, ba, Wb, gb, bb)
        h = jax.nn.relu(h)  # gnn_non_linear (emb_normlize=False)
    node_emb = h
    # global_mean_pool readout
    sums = jax.ops.segment_sum(h, batch, num_segments=G)
    cnts = jax.ops.segment_sum(jnp.ones((h.shape[0],), dtype=h.dtype), batch, num_segments=G)
    graph_emb = sums / jnp.maximum(cnts, 1.0)[:, None]
    # MLP head: Linear -> ELU -> (dropout p=0) -> Linear
    z = jax.nn.elu(graph_emb @ Wm1.T + bm1)
    logits = z @ Wm2.T + bm2
    return (logits, graph_emb, node_emb)

if __name__ == "__main__":
    import jax
    _d = setup_inputs()
    print(jax.jit(kernel)(*tuple(_d.values())))

</pallas_src>

<mosaic_0001>
#map = affine_map<(d0, d1) -> (0, 0)>
#map1 = affine_map<(d0, d1) -> (0, 0, 0)>
module attributes {stable_mosaic.version = 14 : i64} {
  func.func @_sc_agg_body(%arg0: i32, %arg1: i32, %arg2: memref<10000x128xf32, #tpu.memory_space<hbm>>, %arg3: memref<32x79x128xi32, #tpu.memory_space<hbm>>, %arg4: memref<32x79x128xi32, #tpu.memory_space<hbm>>, %arg5: memref<632x128xf32, #tpu.memory_space<hbm>>, %arg6: memref<2x10112x128xf32, #tpu.memory_space<hbm>>, %arg7: memref<79x128xi32, #tpu.memory_space<vmem>>, %arg8: memref<79x128xi32, #tpu.memory_space<vmem>>, %arg9: memref<128x128xf32, #tpu.memory_space<vmem>>, %arg10: memref<10112x128xf32, #tpu.memory_space<vmem_shared>>, %arg11: memref<!tpu.dma_semaphore, #tpu.memory_space<semaphore_mem>>) attributes {dimension_semantics = [#tpu.dimension_semantics<core_parallel>, #tpu.dimension_semantics<subcore_parallel>], iteration_bounds = array<i64: 2, 16>, scalar_prefetch = 0 : i64, scratch_operands = 5 : i64, tpu.core_type = #tpu.core_type<sc_vector_subcore>, window_params = [{transform_indices = #map}, {transform_indices = #map1}, {transform_indices = #map1}, {transform_indices = #map}, {transform_indices = #map1}]} {
    %mul3A = arith.constant 16 : i32
    %mul3A_0 = arith.muli %arg0, %mul3A : i32
    %add3A = arith.addi %mul3A_0, %arg1 : i32
    "tpu.region"() ({
      %run_scoped3A = tpu.sem_alloc : memref<!tpu.dma_semaphore, #tpu.memory_space<semaphore_mem>>
      %dma_start3A = arith.constant 0 : i32
      %dma_start3A_13 = arith.constant 0 : i32
      %dma_start3A_14 = tpu.memref_slice %arg3[%add3A, %dma_start3A, %dma_start3A_13] : memref<32x79x128xi32, #tpu.memory_space<hbm>> -> memref<1x79x128xi32, #tpu.memory_space<hbm>>
      %dma_start3A_15 = tpu.memref_squeeze %dma_start3A_14 : memref<1x79x128xi32, #tpu.memory_space<hbm>> -> memref<79x128xi32, #tpu.memory_space<hbm>>
      %dma_start3A_16 = arith.constant 0 : i32
      %dma_start3A_17 = arith.constant 0 : i32
      %dma_start3A_18 = tpu.memref_slice %arg3[%add3A, %dma_start3A_16, %dma_start3A_17] : memref<32x79x128xi32, #tpu.memory_space<hbm>> -> memref<1x79x128xi32, #tpu.memory_space<hbm>>
      %dma_start3A_19 = tpu.memref_squeeze %dma_start3A_18 : memref<1x79x128xi32, #tpu.memory_space<hbm>> -> memref<79x128xi32, #tpu.memory_space<hbm>>
      tpu.enqueue_dma source(%dma_start3A_19 : memref<79x128xi32, #tpu.memory_space<hbm>>) target(%arg7 : memref<79x128xi32, #tpu.memory_space<vmem>>) target_semaphore(%run_scoped3A : memref<!tpu.dma_semaphore, #tpu.memory_space<semaphore_mem>>)
      %dma_wait3A = arith.constant 0 : i32
      %dma_wait3A_20 = arith.constant 0 : i32
      %dma_wait3A_21 = tpu.memref_slice %arg3[%add3A, %dma_wait3A, %dma_wait3A_20] : memref<32x79x128xi32, #tpu.memory_space<hbm>> -> memref<1x79x128xi32, #tpu.memory_space<hbm>>
      %dma_wait3A_22 = tpu.memref_squeeze %dma_wait3A_21 : memref<1x79x128xi32, #tpu.memory_space<hbm>> -> memref<79x128xi32, #tpu.memory_space<hbm>>
      %dma_wait3A_23 = arith.constant 0 : i32
      %dma_wait3A_24 = arith.constant 0 : i32
      %dma_wait3A_25 = tpu.memref_slice %arg3[%add3A, %dma_wait3A_23, %dma_wait3A_24] : memref<32x79x128xi32, #tpu.memory_space<hbm>> -> memref<1x79x128xi32, #tpu.memory_space<hbm>>
      %dma_wait3A_26 = tpu.memref_squeeze %dma_wait3A_25 : memref<1x79x128xi32, #tpu.memory_space<hbm>> -> memref<79x128xi32, #tpu.memory_space<hbm>>
      tpu.wait_dma2 semaphore(%run_scoped3A : memref<!tpu.dma_semaphore, #tpu.memory_space<semaphore_mem>>) src(%dma_wait3A_26 : memref<79x128xi32, #tpu.memory_space<hbm>>) dst(%arg7 : memref<79x128xi32, #tpu.memory_space<vmem>>)
      tpu.yield
    }) : () -> ()
    "tpu.region"() ({
      %run_scoped3A = tpu.sem_alloc : memref<!tpu.dma_semaphore, #tpu.memory_space<semaphore_mem>>
      %dma_start3A = arith.constant 0 : i32
      %dma_start3A_13 = arith.constant 0 : i32
      %dma_start3A_14 = tpu.memref_slice %arg4[%add3A, %dma_start3A, %dma_start3A_13] : memref<32x79x128xi32, #tpu.memory_space<hbm>> -> memref<1x79x128xi32, #tpu.memory_space<hbm>>
      %dma_start3A_15 = tpu.memref_squeeze %dma_start3A_14 : memref<1x79x128xi32, #tpu.memory_space<hbm>> -> memref<79x128xi32, #tpu.memory_space<hbm>>
      %dma_start3A_16 = arith.constant 0 : i32
      %dma_start3A_17 = arith.constant 0 : i32
      %dma_start3A_18 = tpu.memref_slice %arg4[%add3A, %dma_start3A_16, %dma_start3A_17] : memref<32x79x128xi32, #tpu.memory_space<hbm>> -> memref<1x79x128xi32, #tpu.memory_space<hbm>>
      %dma_start3A_19 = tpu.memref_squeeze %dma_start3A_18 : memref<1x79x128xi32, #tpu.memory_space<hbm>> -> memref<79x128xi32, #tpu.memory_space<hbm>>
      tpu.enqueue_dma source(%dma_start3A_19 : memref<79x128xi32, #tpu.memory_space<hbm>>) target(%arg8 : memref<79x128xi32, #tpu.memory_space<vmem>>) target_semaphore(%run_scoped3A : memref<!tpu.dma_semaphore, #tpu.memory_space<semaphore_mem>>)
      %dma_wait3A = arith.constant 0 : i32
      %dma_wait3A_20 = arith.constant 0 : i32
      %dma_wait3A_21 = tpu.memref_slice %arg4[%add3A, %dma_wait3A, %dma_wait3A_20] : memref<32x79x128xi32, #tpu.memory_space<hbm>> -> memref<1x79x128xi32, #tpu.memory_space<hbm>>
      %dma_wait3A_22 = tpu.memref_squeeze %dma_wait3A_21 : memref<1x79x128xi32, #tpu.memory_space<hbm>> -> memref<79x128xi32, #tpu.memory_space<hbm>>
      %dma_wait3A_23 = arith.constant 0 : i32
      %dma_wait3A_24 = arith.constant 0 : i32
      %dma_wait3A_25 = tpu.memref_slice %arg4[%add3A, %dma_wait3A_23, %dma_wait3A_24] : memref<32x79x128xi32, #tpu.memory_space<hbm>> -> memref<1x79x128xi32, #tpu.memory_space<hbm>>
      %dma_wait3A_26 = tpu.memref_squeeze %dma_wait3A_25 : memref<1x79x128xi32, #tpu.memory_space<hbm>> -> memref<79x128xi32, #tpu.memory_space<hbm>>
      tpu.wait_dma2 semaphore(%run_scoped3A : memref<!tpu.dma_semaphore, #tpu.memory_space<semaphore_mem>>) src(%dma_wait3A_26 : memref<79x128xi32, #tpu.memory_space<hbm>>) dst(%arg8 : memref<79x128xi32, #tpu.memory_space<vmem>>)
      tpu.yield
    }) : () -> ()
    %mul3A_1 = arith.constant 632 : i32
    %mul3A_2 = arith.muli %arg1, %mul3A_1 : i32
    "tpu.region"() ({
      %run_scoped3A = tpu.sem_alloc : memref<!tpu.dma_semaphore, #tpu.memory_space<semaphore_mem>>
      %dma_start3A = arith.constant 0 : i32
      %dma_start3A_13 = tpu.memref_slice %arg10[%mul3A_2, %dma_start3A] : memref<10112x128xf32, #tpu.memory_space<vmem_shared>> -> memref<632x128xf32, #tpu.memory_space<vmem_shared>>
      tpu.enqueue_dma source(%arg5 : memref<632x128xf32, #tpu.memory_space<hbm>>) target(%dma_start3A_13 : memref<632x128xf32, #tpu.memory_space<vmem_shared>>) target_semaphore(%run_scoped3A : memref<!tpu.dma_semaphore, #tpu.memory_space<semaphore_mem>>)
      %dma_wait3A = arith.constant 0 : i32
      %dma_wait3A_14 = tpu.memref_slice %arg10[%mul3A_2, %dma_wait3A] : memref<10112x128xf32, #tpu.memory_space<vmem_shared>> -> memref<632x128xf32, #tpu.memory_space<vmem_shared>>
      tpu.wait_dma2 semaphore(%run_scoped3A : memref<!tpu.dma_semaphore, #tpu.memory_space<semaphore_mem>>) src(%arg5 : memref<632x128xf32, #tpu.memory_space<hbm>>) dst(%dma_wait3A_14 : memref<632x128xf32, #tpu.memory_space<vmem_shared>>)
      tpu.yield
    }) : () -> ()
    %barrier3A = arith.constant 0 : index
    tpu.barrier barrier_id(%barrier3A)
    %scan3A = arith.constant 0 : i32
    %scan3A_3 = arith.constant 0 : i32
    %scan3A_4 = arith.constant 79 : i32
    %scan3A_5 = arith.addi %scan3A_3, %scan3A_4 : i32
    %scan3A_6 = arith.constant 1 : i32
    scf.for %scan3A_13 = %scan3A_3 to %scan3A_5 step %scan3A_6  : i32 {
      %dma_start3A = arith.constant 0 : i32
      %dma_start3A_14 = tpu.memref_slice %arg7[%scan3A_13, %dma_start3A] : memref<79x128xi32, #tpu.memory_space<vmem>> -> memref<1x128xi32, #tpu.memory_space<vmem>>
      %dma_start3A_15 = tpu.memref_squeeze %dma_start3A_14 : memref<1x128xi32, #tpu.memory_space<vmem>> -> memref<128xi32, #tpu.memory_space<vmem>>
      %dma_start3A_16 = arith.constant 0 : i32
      %dma_start3A_17 = arith.constant 0 : i32
      %dma_start3A_18 = tpu.memref_slice %arg2[%dma_start3A_16, %dma_start3A_17] : memref<10000x128xf32, #tpu.memory_space<hbm>> -> memref<10000x128xf32, #tpu.memory_space<hbm>>
      tpu.enqueue_indirect_dma source(%dma_start3A_18 : memref<10000x128xf32, #tpu.memory_space<hbm>>) target(%arg9 : memref<128x128xf32, #tpu.memory_space<vmem>>) offsets(%dma_start3A_15 : memref<128xi32, #tpu.memory_space<vmem>>) semaphore(%arg11 : memref<!tpu.dma_semaphore, #tpu.memory_space<semaphore_mem>>)
      %dma_wait3A = arith.constant 0 : i32
      %dma_wait3A_19 = tpu.memref_slice %arg7[%scan3A_13, %dma_wait3A] : memref<79x128xi32, #tpu.memory_space<vmem>> -> memref<1x128xi32, #tpu.memory_space<vmem>>
      %dma_wait3A_20 = tpu.memref_squeeze %dma_wait3A_19 : memref<1x128xi32, #tpu.memory_space<vmem>> -> memref<128xi32, #tpu.memory_space<vmem>>
      %dma_wait3A_21 = arith.constant 0 : i32
      %dma_wait3A_22 = arith.constant 0 : i32
      %dma_wait3A_23 = tpu.memref_slice %arg2[%dma_wait3A_21, %dma_wait3A_22] : memref<10000x128xf32, #tpu.memory_space<hbm>> -> memref<10000x128xf32, #tpu.memory_space<hbm>>
      tpu.wait_indirect_dma semaphore(%arg11 : memref<!tpu.dma_semaphore, #tpu.memory_space<semaphore_mem>>) src(%dma_wait3A_23 : memref<10000x128xf32, #tpu.memory_space<hbm>>) dst(%arg9 : memref<128x128xf32, #tpu.memory_space<vmem>>)
      "tpu.region"() ({
        %run_scoped3A = tpu.sem_alloc : memref<!tpu.dma_semaphore, #tpu.memory_space<semaphore_mem>>
        %dma_start3A_24 = arith.constant 0 : i32
        %dma_start3A_25 = tpu.memref_slice %arg8[%scan3A_13, %dma_start3A_24] : memref<79x128xi32, #tpu.memory_space<vmem>> -> memref<1x128xi32, #tpu.memory_space<vmem>>
        %dma_start3A_26 = tpu.memref_squeeze %dma_start3A_25 : memref<1x128xi32, #tpu.memory_space<vmem>> -> memref<128xi32, #tpu.memory_space<vmem>>
        %dma_start3A_27 = arith.constant 0 : i32
        %dma_start3A_28 = arith.constant 0 : i32
        %dma_start3A_29 = tpu.memref_slice %arg10[%dma_start3A_27, %dma_start3A_28] : memref<10112x128xf32, #tpu.memory_space<vmem_shared>> -> memref<10112x128xf32, #tpu.memory_space<vmem_shared>>
        tpu.enqueue_indirect_dma source(%arg9 : memref<128x128xf32, #tpu.memory_space<vmem>>) target(%dma_start3A_29 : memref<10112x128xf32, #tpu.memory_space<vmem_shared>>) offsets(%dma_start3A_26 : memref<128xi32, #tpu.memory_space<vmem>>) semaphore(%run_scoped3A : memref<!tpu.dma_semaphore, #tpu.memory_space<semaphore_mem>>) {add = true}
        %dma_wait3A_30 = arith.constant 0 : i32
        %dma_wait3A_31 = tpu.memref_slice %arg8[%scan3A_13, %dma_wait3A_30] : memref<79x128xi32, #tpu.memory_space<vmem>> -> memref<1x128xi32, #tpu.memory_space<vmem>>
        %dma_wait3A_32 = tpu.memref_squeeze %dma_wait3A_31 : memref<1x128xi32, #tpu.memory_space<vmem>> -> memref<128xi32, #tpu.memory_space<vmem>>
        %dma_wait3A_33 = arith.constant 0 : i32
        %dma_wait3A_34 = arith.constant 0 : i32
        %dma_wait3A_35 = tpu.memref_slice %arg10[%dma_wait3A_33, %dma_wait3A_34] : memref<10112x128xf32, #tpu.memory_space<vmem_shared>> -> memref<10112x128xf32, #tpu.memory_space<vmem_shared>>
        tpu.wait_indirect_dma semaphore(%run_scoped3A : memref<!tpu.dma_semaphore, #tpu.memory_space<semaphore_mem>>) src(%arg9 : memref<128x128xf32, #tpu.memory_space<vmem>>) dst(%dma_wait3A_35 : memref<10112x128xf32, #tpu.memory_space<vmem_shared>>)
        tpu.yield
      }) : () -> ()
    }
    %scan3A_7 = arith.constant 79 : i32
    %barrier3A_8 = arith.constant 0 : index
    tpu.barrier barrier_id(%barrier3A_8)
    %mul3A_9 = arith.constant 632 : i32
    %mul3A_10 = arith.muli %arg1, %mul3A_9 : i32
    %mul3A_11 = arith.constant 632 : i32
    %mul3A_12 = arith.muli %arg1, %mul3A_11 : i32
    "tpu.region"() ({
      %run_scoped3A = tpu.sem_alloc : memref<!tpu.dma_semaphore, #tpu.memory_space<semaphore_mem>>
      %dma_start3A = arith.constant 0 : i32
      %dma_start3A_13 = arith.constant 0 : i32
      %dma_start3A_14 = tpu.memref_slice %arg6[%arg0, %dma_start3A, %dma_start3A_13] : memref<2x10112x128xf32, #tpu.memory_space<hbm>> -> memref<1x10112x128xf32, #tpu.memory_space<hbm>>
      %dma_start3A_15 = tpu.memref_squeeze %dma_start3A_14 : memref<1x10112x128xf32, #tpu.memory_space<hbm>> -> memref<10112x128xf32, #tpu.memory_space<hbm>>
      %dma_start3A_16 = arith.constant 0 : i32
      %dma_start3A_17 = tpu.memref_slice %dma_start3A_15[%mul3A_12, %dma_start3A_16] : memref<10112x128xf32, #tpu.memory_space<hbm>> -> memref<632x128xf32, #tpu.memory_space<hbm>>
      %dma_start3A_18 = arith.constant 0 : i32
      %dma_start3A_19 = tpu.memref_slice %arg10[%mul3A_10, %dma_start3A_18] : memref<10112x128xf32, #tpu.memory_space<vmem_shared>> -> memref<632x128xf32, #tpu.memory_space<vmem_shared>>
      tpu.enqueue_dma source(%dma_start3A_19 : memref<632x128xf32, #tpu.memory_space<vmem_shared>>) target(%dma_start3A_17 : memref<632x128xf32, #tpu.memory_space<hbm>>) target_semaphore(%run_scoped3A : memref<!tpu.dma_semaphore, #tpu.memory_space<semaphore_mem>>)
      %dma_wait3A = arith.constant 0 : i32
      %dma_wait3A_20 = arith.constant 0 : i32
      %dma_wait3A_21 = tpu.memref_slice %arg6[%arg0, %dma_wait3A, %dma_wait3A_20] : memref<2x10112x128xf32, #tpu.memory_space<hbm>> -> memref<1x10112x128xf32, #tpu.memory_space<hbm>>
      %dma_wait3A_22 = tpu.memref_squeeze %dma_wait3A_21 : memref<1x10112x128xf32, #tpu.memory_space<hbm>> -> memref<10112x128xf32, #tpu.memory_space<hbm>>
      %dma_wait3A_23 = arith.constant 0 : i32
      %dma_wait3A_24 = tpu.memref_slice %dma_wait3A_22[%mul3A_12, %dma_wait3A_23] : memref<10112x128xf32, #tpu.memory_space<hbm>> -> memref<632x128xf32, #tpu.memory_space<hbm>>
      %dma_wait3A_25 = arith.constant 0 : i32
      %dma_wait3A_26 = tpu.memref_slice %arg10[%mul3A_10, %dma_wait3A_25] : memref<10112x128xf32, #tpu.memory_space<vmem_shared>> -> memref<632x128xf32, #tpu.memory_space<vmem_shared>>
      tpu.wait_dma2 semaphore(%run_scoped3A : memref<!tpu.dma_semaphore, #tpu.memory_space<semaphore_mem>>) src(%dma_wait3A_26 : memref<632x128xf32, #tpu.memory_space<vmem_shared>>) dst(%dma_wait3A_24 : memref<632x128xf32, #tpu.memory_space<hbm>>)
      tpu.yield
    }) : () -> ()
    return
  }
}

#map = affine_map<(d0, d1) -> (0, 0)>
#map1 = affine_map<(d0, d1) -> (0, 0, 0)>
module attributes {stable_mosaic.version = 14 : i64} {
  func.func @_sc_agg_body(%arg0: i32, %arg1: i32, %arg2: memref<10000x128xf32, #tpu.memory_space<hbm>>, %arg3: memref<32x79x128xi32, #tpu.memory_space<hbm>>, %arg4: memref<32x79x128xi32, #tpu.memory_space<hbm>>, %arg5: memref<632x128xf32, #tpu.memory_space<hbm>>, %arg6: memref<2x10112x128xf32, #tpu.memory_space<hbm>>, %arg7: memref<79x128xi32, #tpu.memory_space<vmem>>, %arg8: memref<79x128xi32, #tpu.memory_space<vmem>>, %arg9: memref<128x128xf32, #tpu.memory_space<vmem>>, %arg10: memref<10112x128xf32, #tpu.memory_space<vmem_shared>>, %arg11: memref<!tpu.dma_semaphore, #tpu.memory_space<semaphore_mem>>) attributes {dimension_semantics = [#tpu.dimension_semantics<core_parallel>, #tpu.dimension_semantics<subcore_parallel>], iteration_bounds = array<i64: 2, 16>, scalar_prefetch = 0 : i64, scratch_operands = 5 : i64, tpu.core_type = #tpu.core_type<sc_vector_subcore>, window_params = [{transform_indices = #map}, {transform_indices = #map1}, {transform_indices = #map1}, {transform_indices = #map}, {transform_indices = #map1}]} {
    %mul3A = arith.constant 16 : i32
    %mul3A_0 = arith.muli %arg0, %mul3A : i32
    %add3A = arith.addi %mul3A_0, %arg1 : i32
    "tpu.region"() ({
      %run_scoped3A = tpu.sem_alloc : memref<!tpu.dma_semaphore, #tpu.memory_space<semaphore_mem>>
      %dma_start3A = arith.constant 0 : i32
      %dma_start3A_13 = arith.constant 0 : i32
      %dma_start3A_14 = tpu.memref_slice %arg3[%add3A, %dma_start3A, %dma_start3A_13] : memref<32x79x128xi32, #tpu.memory_space<hbm>> -> memref<1x79x128xi32, #tpu.memory_space<hbm>>
      %dma_start3A_15 = tpu.memref_squeeze %dma_start3A_14 : memref<1x79x128xi32, #tpu.memory_space<hbm>> -> memref<79x128xi32, #tpu.memory_space<hbm>>
      %dma_start3A_16 = arith.constant 0 : i32
      %dma_start3A_17 = arith.constant 0 : i32
      %dma_start3A_18 = tpu.memref_slice %arg3[%add3A, %dma_start3A_16, %dma_start3A_17] : memref<32x79x128xi32, #tpu.memory_space<hbm>> -> memref<1x79x128xi32, #tpu.memory_space<hbm>>
      %dma_start3A_19 = tpu.memref_squeeze %dma_start3A_18 : memref<1x79x128xi32, #tpu.memory_space<hbm>> -> memref<79x128xi32, #tpu.memory_space<hbm>>
      tpu.enqueue_dma source(%dma_start3A_19 : memref<79x128xi32, #tpu.memory_space<hbm>>) target(%arg7 : memref<79x128xi32, #tpu.memory_space<vmem>>) target_semaphore(%run_scoped3A : memref<!tpu.dma_semaphore, #tpu.memory_space<semaphore_mem>>)
      %dma_wait3A = arith.constant 0 : i32
      %dma_wait3A_20 = arith.constant 0 : i32
      %dma_wait3A_21 = tpu.memref_slice %arg3[%add3A, %dma_wait3A, %dma_wait3A_20] : memref<32x79x128xi32, #tpu.memory_space<hbm>> -> memref<1x79x128xi32, #tpu.memory_space<hbm>>
      %dma_wait3A_22 = tpu.memref_squeeze %dma_wait3A_21 : memref<1x79x128xi32, #tpu.memory_space<hbm>> -> memref<79x128xi32, #tpu.memory_space<hbm>>
      %dma_wait3A_23 = arith.constant 0 : i32
      %dma_wait3A_24 = arith.constant 0 : i32
      %dma_wait3A_25 = tpu.memref_slice %arg3[%add3A, %dma_wait3A_23, %dma_wait3A_24] : memref<32x79x128xi32, #tpu.memory_space<hbm>> -> memref<1x79x128xi32, #tpu.memory_space<hbm>>
      %dma_wait3A_26 = tpu.memref_squeeze %dma_wait3A_25 : memref<1x79x128xi32, #tpu.memory_space<hbm>> -> memref<79x128xi32, #tpu.memory_space<hbm>>
      tpu.wait_dma2 semaphore(%run_scoped3A : memref<!tpu.dma_semaphore, #tpu.memory_space<semaphore_mem>>) src(%dma_wait3A_26 : memref<79x128xi32, #tpu.memory_space<hbm>>) dst(%arg7 : memref<79x128xi32, #tpu.memory_space<vmem>>)
      tpu.yield
    }) : () -> ()
    "tpu.region"() ({
      %run_scoped3A = tpu.sem_alloc : memref<!tpu.dma_semaphore, #tpu.memory_space<semaphore_mem>>
      %dma_start3A = arith.constant 0 : i32
      %dma_start3A_13 = arith.constant 0 : i32
      %dma_start3A_14 = tpu.memref_slice %arg4[%add3A, %dma_start3A, %dma_start3A_13] : memref<32x79x128xi32, #tpu.memory_space<hbm>> -> memref<1x79x128xi32, #tpu.memory_space<hbm>>
      %dma_start3A_15 = tpu.memref_squeeze %dma_start3A_14 : memref<1x79x128xi32, #tpu.memory_space<hbm>> -> memref<79x128xi32, #tpu.memory_space<hbm>>
      %dma_start3A_16 = arith.constant 0 : i32
      %dma_start3A_17 = arith.constant 0 : i32
      %dma_start3A_18 = tpu.memref_slice %arg4[%add3A, %dma_start3A_16, %dma_start3A_17] : memref<32x79x128xi32, #tpu.memory_space<hbm>> -> memref<1x79x128xi32, #tpu.memory_space<hbm>>
      %dma_start3A_19 = tpu.memref_squeeze %dma_start3A_18 : memref<1x79x128xi32, #tpu.memory_space<hbm>> -> memref<79x128xi32, #tpu.memory_space<hbm>>
      tpu.enqueue_dma source(%dma_start3A_19 : memref<79x128xi32, #tpu.memory_space<hbm>>) target(%arg8 : memref<79x128xi32, #tpu.memory_space<vmem>>) target_semaphore(%run_scoped3A : memref<!tpu.dma_semaphore, #tpu.memory_space<semaphore_mem>>)
      %dma_wait3A = arith.constant 0 : i32
      %dma_wait3A_20 = arith.constant 0 : i32
      %dma_wait3A_21 = tpu.memref_slice %arg4[%add3A, %dma_wait3A, %dma_wait3A_20] : memref<32x79x128xi32, #tpu.memory_space<hbm>> -> memref<1x79x128xi32, #tpu.memory_space<hbm>>
      %dma_wait3A_22 = tpu.memref_squeeze %dma_wait3A_21 : memref<1x79x128xi32, #tpu.memory_space<hbm>> -> memref<79x128xi32, #tpu.memory_space<hbm>>
      %dma_wait3A_23 = arith.constant 0 : i32
      %dma_wait3A_24 = arith.constant 0 : i32
      %dma_wait3A_25 = tpu.memref_slice %arg4[%add3A, %dma_wait3A_23, %dma_wait3A_24] : memref<32x79x128xi32, #tpu.memory_space<hbm>> -> memref<1x79x128xi32, #tpu.memory_space<hbm>>
      %dma_wait3A_26 = tpu.memref_squeeze %dma_wait3A_25 : memref<1x79x128xi32, #tpu.memory_space<hbm>> -> memref<79x128xi32, #tpu.memory_space<hbm>>
      tpu.wait_dma2 semaphore(%run_scoped3A : memref<!tpu.dma_semaphore, #tpu.memory_space<semaphore_mem>>) src(%dma_wait3A_26 : memref<79x128xi32, #tpu.memory_space<hbm>>) dst(%arg8 : memref<79x128xi32, #tpu.memory_space<vmem>>)
      tpu.yield
    }) : () -> ()
    %mul3A_1 = arith.constant 632 : i32
    %mul3A_2 = arith.muli %arg1, %mul3A_1 : i32
    "tpu.region"() ({
      %run_scoped3A = tpu.sem_alloc : memref<!tpu.dma_semaphore, #tpu.memory_space<semaphore_mem>>
      %dma_start3A = arith.constant 0 : i32
      %dma_start3A_13 = tpu.memref_slice %arg10[%mul3A_2, %dma_start3A] : memref<10112x128xf32, #tpu.memory_space<vmem_shared>> -> memref<632x128xf32, #tpu.memory_space<vmem_shared>>
      tpu.enqueue_dma source(%arg5 : memref<632x128xf32, #tpu.memory_space<hbm>>) target(%dma_start3A_13 : memref<632x128xf32, #tpu.memory_space<vmem_shared>>) target_semaphore(%run_scoped3A : memref<!tpu.dma_semaphore, #tpu.memory_space<semaphore_mem>>)
      %dma_wait3A = arith.constant 0 : i32
      %dma_wait3A_14 = tpu.memref_slice %arg10[%mul3A_2, %dma_wait3A] : memref<10112x128xf32, #tpu.memory_space<vmem_shared>> -> memref<632x128xf32, #tpu.memory_space<vmem_shared>>
      tpu.wait_dma2 semaphore(%run_scoped3A : memref<!tpu.dma_semaphore, #tpu.memory_space<semaphore_mem>>) src(%arg5 : memref<632x128xf32, #tpu.memory_space<hbm>>) dst(%dma_wait3A_14 : memref<632x128xf32, #tpu.memory_space<vmem_shared>>)
      tpu.yield
    }) : () -> ()
    %barrier3A = arith.constant 0 : index
    tpu.barrier barrier_id(%barrier3A)
    %scan3A = arith.constant 0 : i32
    %scan3A_3 = arith.constant 0 : i32
    %scan3A_4 = arith.constant 79 : i32
    %scan3A_5 = arith.addi %scan3A_3, %scan3A_4 : i32
    %scan3A_6 = arith.constant 1 : i32
    scf.for %scan3A_13 = %scan3A_3 to %scan3A_5 step %scan3A_6  : i32 {
      %dma_start3A = arith.constant 0 : i32
      %dma_start3A_14 = tpu.memref_slice %arg7[%scan3A_13, %dma_start3A] : memref<79x128xi32, #tpu.memory_space<vmem>> -> memref<1x128xi32, #tpu.memory_space<vmem>>
      %dma_start3A_15 = tpu.memref_squeeze %dma_start3A_14 : memref<1x128xi32, #tpu.memory_space<vmem>> -> memref<128xi32, #tpu.memory_space<vmem>>
      %dma_start3A_16 = arith.constant 0 : i32
      %dma_start3A_17 = arith.constant 0 : i32
      %dma_start3A_18 = tpu.memref_slice %arg2[%dma_start3A_16, %dma_start3A_17] : memref<10000x128xf32, #tpu.memory_space<hbm>> -> memref<10000x128xf32, #tpu.memory_space<hbm>>
      tpu.enqueue_indirect_dma source(%dma_start3A_18 : memref<10000x128xf32, #tpu.memory_space<hbm>>) target(%arg9 : memref<128x128xf32, #tpu.memory_space<vmem>>) offsets(%dma_start3A_15 : memref<128xi32, #tpu.memory_space<vmem>>) semaphore(%arg11 : memref<!tpu.dma_semaphore, #tpu.memory_space<semaphore_mem>>)
      %dma_wait3A = arith.constant 0 : i32
      %dma_wait3A_19 = tpu.memref_slice %arg7[%scan3A_13, %dma_wait3A] : memref<79x128xi32, #tpu.memory_space<vmem>> -> memref<1x128xi32, #tpu.memory_space<vmem>>
      %dma_wait3A_20 = tpu.memref_squeeze %dma_wait3A_19 : memref<1x128xi32, #tpu.memory_space<vmem>> -> memref<128xi32, #tpu.memory_space<vmem>>
      %dma_wait3A_21 = arith.constant 0 : i32
      %dma_wait3A_22 = arith.constant 0 : i32
      %dma_wait3A_23 = tpu.memref_slice %arg2[%dma_wait3A_21, %dma_wait3A_22] : memref<10000x128xf32, #tpu.memory_space<hbm>> -> memref<10000x128xf32, #tpu.memory_space<hbm>>
      tpu.wait_indirect_dma semaphore(%arg11 : memref<!tpu.dma_semaphore, #tpu.memory_space<semaphore_mem>>) src(%dma_wait3A_23 : memref<10000x128xf32, #tpu.memory_space<hbm>>) dst(%arg9 : memref<128x128xf32, #tpu.memory_space<vmem>>)
      "tpu.region"() ({
        %run_scoped3A = tpu.sem_alloc : memref<!tpu.dma_semaphore, #tpu.memory_space<semaphore_mem>>
        %dma_start3A_24 = arith.constant 0 : i32
        %dma_start3A_25 = tpu.memref_slice %arg8[%scan3A_13, %dma_start3A_24] : memref<79x128xi32, #tpu.memory_space<vmem>> -> memref<1x128xi32, #tpu.memory_space<vmem>>
        %dma_start3A_26 = tpu.memref_squeeze %dma_start3A_25 : memref<1x128xi32, #tpu.memory_space<vmem>> -> memref<128xi32, #tpu.memory_space<vmem>>
        %dma_start3A_27 = arith.constant 0 : i32
        %dma_start3A_28 = arith.constant 0 : i32
        %dma_start3A_29 = tpu.memref_slice %arg10[%dma_start3A_27, %dma_start3A_28] : memref<10112x128xf32, #tpu.memory_space<vmem_shared>> -> memref<10112x128xf32, #tpu.memory_space<vmem_shared>>
        tpu.enqueue_indirect_dma source(%arg9 : memref<128x128xf32, #tpu.memory_space<vmem>>) target(%dma_start3A_29 : memref<10112x128xf32, #tpu.memory_space<vmem_shared>>) offsets(%dma_start3A_26 : memref<128xi32, #tpu.memory_space<vmem>>) semaphore(%run_scoped3A : memref<!tpu.dma_semaphore, #tpu.memory_space<semaphore_mem>>) {add = true}
        %dma_wait3A_30 = arith.constant 0 : i32
        %dma_wait3A_31 = tpu.memref_slice %arg8[%scan3A_13, %dma_wait3A_30] : memref<79x128xi32, #tpu.memory_space<vmem>> -> memref<1x128xi32, #tpu.memory_space<vmem>>
        %dma_wait3A_32 = tpu.memref_squeeze %dma_wait3A_31 : memref<1x128xi32, #tpu.memory_space<vmem>> -> memref<128xi32, #tpu.memory_space<vmem>>
        %dma_wait3A_33 = arith.constant 0 : i32
        %dma_wait3A_34 = arith.constant 0 : i32
        %dma_wait3A_35 = tpu.memref_slice %arg10[%dma_wait3A_33, %dma_wait3A_34] : memref<10112x128xf32, #tpu.memory_space<vmem_shared>> -> memref<10112x128xf32, #tpu.memory_space<vmem_shared>>
        tpu.wait_indirect_dma semaphore(%run_scoped3A : memref<!tpu.dma_semaphore, #tpu.memory_space<semaphore_mem>>) src(%arg9 : memref<128x128xf32, #tpu.memory_space<vmem>>) dst(%dma_wait3A_35 : memref<10112x128xf32, #tpu.memory_space<vmem_shared>>)
        tpu.yield
      }) : () -> ()
    }
    %scan3A_7 = arith.constant 79 : i32
    %barrier3A_8 = arith.constant 0 : index
    tpu.barrier barrier_id(%barrier3A_8)
    %mul3A_9 = arith.constant 632 : i32
    %mul3A_10 = arith.muli %arg1, %mul3A_9 : i32
    %mul3A_11 = arith.constant 632 : i32
    %mul3A_12 = arith.muli %arg1, %mul3A_11 : i32
    "tpu.region"() ({
      %run_scoped3A = tpu.sem_alloc : memref<!tpu.dma_semaphore, #tpu.memory_space<semaphore_mem>>
      %dma_start3A = arith.constant 0 : i32
      %dma_start3A_13 = arith.constant 0 : i32
      %dma_start3A_14 = tpu.memref_slice %arg6[%arg0, %dma_start3A, %dma_start3A_13] : memref<2x10112x128xf32, #tpu.memory_space<hbm>> -> memref<1x10112x128xf32, #tpu.memory_space<hbm>>
      %dma_start3A_15 = tpu.memref_squeeze %dma_start3A_14 : memref<1x10112x128xf32, #tpu.memory_space<hbm>> -> memref<10112x128xf32, #tpu.memory_space<hbm>>
      %dma_start3A_16 = arith.constant 0 : i32
      %dma_start3A_17 = tpu.memref_slice %dma_start3A_15[%mul3A_12, %dma_start3A_16] : memref<10112x128xf32, #tpu.memory_space<hbm>> -> memref<632x128xf32, #tpu.memory_space<hbm>>
      %dma_start3A_18 = arith.constant 0 : i32
      %dma_start3A_19 = tpu.memref_slice %arg10[%mul3A_10, %dma_start3A_18] : memref<10112x128xf32, #tpu.memory_space<vmem_shared>> -> memref<632x128xf32, #tpu.memory_space<vmem_shared>>
      tpu.enqueue_dma source(%dma_start3A_19 : memref<632x128xf32, #tpu.memory_space<vmem_shared>>) target(%dma_start3A_17 : memref<632x128xf32, #tpu.memory_space<hbm>>) target_semaphore(%run_scoped3A : memref<!tpu.dma_semaphore, #tpu.memory_space<semaphore_mem>>)
      %dma_wait3A = arith.constant 0 : i32
      %dma_wait3A_20 = arith.constant 0 : i32
      %dma_wait3A_21 = tpu.memref_slice %arg6[%arg0, %dma_wait3A, %dma_wait3A_20] : memref<2x10112x128xf32, #tpu.memory_space<hbm>> -> memref<1x10112x128xf32, #tpu.memory_space<hbm>>
      %dma_wait3A_22 = tpu.memref_squeeze %dma_wait3A_21 : memref<1x10112x128xf32, #tpu.memory_space<hbm>> -> memref<10112x128xf32, #tpu.memory_space<hbm>>
      %dma_wait3A_23 = arith.constant 0 : i32
      %dma_wait3A_24 = tpu.memref_slice %dma_wait3A_22[%mul3A_12, %dma_wait3A_23] : memref<10112x128xf32, #tpu.memory_space<hbm>> -> memref<632x128xf32, #tpu.memory_space<hbm>>
      %dma_wait3A_25 = arith.constant 0 : i32
      %dma_wait3A_26 = tpu.memref_slice %arg10[%mul3A_10, %dma_wait3A_25] : memref<10112x128xf32, #tpu.memory_space<vmem_shared>> -> memref<632x128xf32, #tpu.memory_space<vmem_shared>>
      tpu.wait_dma2 semaphore(%run_scoped3A : memref<!tpu.dma_semaphore, #tpu.memory_space<semaphore_mem>>) src(%dma_wait3A_26 : memref<632x128xf32, #tpu.memory_space<vmem_shared>>) dst(%dma_wait3A_24 : memref<632x128xf32, #tpu.memory_space<hbm>>)
      tpu.yield
    }) : () -> ()
    return
  }
}

#map = affine_map<(d0, d1) -> (0, 0)>
#map1 = affine_map<(d0, d1) -> (0, 0, 0)>
module attributes {stable_mosaic.version = 14 : i64} {
  func.func @_sc_agg_body(%arg0: i32, %arg1: i32, %arg2: memref<10000x128xf32, #tpu.memory_space<hbm>>, %arg3: memref<32x79x128xi32, #tpu.memory_space<hbm>>, %arg4: memref<32x79x128xi32, #tpu.memory_space<hbm>>, %arg5: memref<632x128xf32, #tpu.memory_space<hbm>>, %arg6: memref<2x10112x128xf32, #tpu.memory_space<hbm>>, %arg7: memref<79x128xi32, #tpu.memory_space<vmem>>, %arg8: memref<79x128xi32, #tpu.memory_space<vmem>>, %arg9: memref<128x128xf32, #tpu.memory_space<vmem>>, %arg10: memref<10112x128xf32, #tpu.memory_space<vmem_shared>>, %arg11: memref<!tpu.dma_semaphore, #tpu.memory_space<semaphore_mem>>) attributes {dimension_semantics = [#tpu.dimension_semantics<core_parallel>, #tpu.dimension_semantics<subcore_parallel>], iteration_bounds = array<i64: 2, 16>, scalar_prefetch = 0 : i64, scratch_operands = 5 : i64, tpu.core_type = #tpu.core_type<sc_vector_subcore>, window_params = [{transform_indices = #map}, {transform_indices = #map1}, {transform_indices = #map1}, {transform_indices = #map}, {transform_indices = #map1}]} {
    %mul3A = arith.constant 16 : i32
    %mul3A_0 = arith.muli %arg0, %mul3A : i32
    %add3A = arith.addi %mul3A_0, %arg1 : i32
    "tpu.region"() ({
      %run_scoped3A = tpu.sem_alloc : memref<!tpu.dma_semaphore, #tpu.memory_space<semaphore_mem>>
      %dma_start3A = arith.constant 0 : i32
      %dma_start3A_13 = arith.constant 0 : i32
      %dma_start3A_14 = tpu.memref_slice %arg3[%add3A, %dma_start3A, %dma_start3A_13] : memref<32x79x128xi32, #tpu.memory_space<hbm>> -> memref<1x79x128xi32, #tpu.memory_space<hbm>>
      %dma_start3A_15 = tpu.memref_squeeze %dma_start3A_14 : memref<1x79x128xi32, #tpu.memory_space<hbm>> -> memref<79x128xi32, #tpu.memory_space<hbm>>
      %dma_start3A_16 = arith.constant 0 : i32
      %dma_start3A_17 = arith.constant 0 : i32
      %dma_start3A_18 = tpu.memref_slice %arg3[%add3A, %dma_start3A_16, %dma_start3A_17] : memref<32x79x128xi32, #tpu.memory_space<hbm>> -> memref<1x79x128xi32, #tpu.memory_space<hbm>>
      %dma_start3A_19 = tpu.memref_squeeze %dma_start3A_18 : memref<1x79x128xi32, #tpu.memory_space<hbm>> -> memref<79x128xi32, #tpu.memory_space<hbm>>
      tpu.enqueue_dma source(%dma_start3A_19 : memref<79x128xi32, #tpu.memory_space<hbm>>) target(%arg7 : memref<79x128xi32, #tpu.memory_space<vmem>>) target_semaphore(%run_scoped3A : memref<!tpu.dma_semaphore, #tpu.memory_space<semaphore_mem>>)
      %dma_wait3A = arith.constant 0 : i32
      %dma_wait3A_20 = arith.constant 0 : i32
      %dma_wait3A_21 = tpu.memref_slice %arg3[%add3A, %dma_wait3A, %dma_wait3A_20] : memref<32x79x128xi32, #tpu.memory_space<hbm>> -> memref<1x79x128xi32, #tpu.memory_space<hbm>>
      %dma_wait3A_22 = tpu.memref_squeeze %dma_wait3A_21 : memref<1x79x128xi32, #tpu.memory_space<hbm>> -> memref<79x128xi32, #tpu.memory_space<hbm>>
      %dma_wait3A_23 = arith.constant 0 : i32
      %dma_wait3A_24 = arith.constant 0 : i32
      %dma_wait3A_25 = tpu.memref_slice %arg3[%add3A, %dma_wait3A_23, %dma_wait3A_24] : memref<32x79x128xi32, #tpu.memory_space<hbm>> -> memref<1x79x128xi32, #tpu.memory_space<hbm>>
      %dma_wait3A_26 = tpu.memref_squeeze %dma_wait3A_25 : memref<1x79x128xi32, #tpu.memory_space<hbm>> -> memref<79x128xi32, #tpu.memory_space<hbm>>
      tpu.wait_dma2 semaphore(%run_scoped3A : memref<!tpu.dma_semaphore, #tpu.memory_space<semaphore_mem>>) src(%dma_wait3A_26 : memref<79x128xi32, #tpu.memory_space<hbm>>) dst(%arg7 : memref<79x128xi32, #tpu.memory_space<vmem>>)
      tpu.yield
    }) : () -> ()
    "tpu.region"() ({
      %run_scoped3A = tpu.sem_alloc : memref<!tpu.dma_semaphore, #tpu.memory_space<semaphore_mem>>
      %dma_start3A = arith.constant 0 : i32
      %dma_start3A_13 = arith.constant 0 : i32
      %dma_start3A_14 = tpu.memref_slice %arg4[%add3A, %dma_start3A, %dma_start3A_13] : memref<32x79x128xi32, #tpu.memory_space<hbm>> -> memref<1x79x128xi32, #tpu.memory_space<hbm>>
      %dma_start3A_15 = tpu.memref_squeeze %dma_start3A_14 : memref<1x79x128xi32, #tpu.memory_space<hbm>> -> memref<79x128xi32, #tpu.memory_space<hbm>>
      %dma_start3A_16 = arith.constant 0 : i32
      %dma_start3A_17 = arith.constant 0 : i32
      %dma_start3A_18 = tpu.memref_slice %arg4[%add3A, %dma_start3A_16, %dma_start3A_17] : memref<32x79x128xi32, #tpu.memory_space<hbm>> -> memref<1x79x128xi32, #tpu.memory_space<hbm>>
      %dma_start3A_19 = tpu.memref_squeeze %dma_start3A_18 : memref<1x79x128xi32, #tpu.memory_space<hbm>> -> memref<79x128xi32, #tpu.memory_space<hbm>>
      tpu.enqueue_dma source(%dma_start3A_19 : memref<79x128xi32, #tpu.memory_space<hbm>>) target(%arg8 : memref<79x128xi32, #tpu.memory_space<vmem>>) target_semaphore(%run_scoped3A : memref<!tpu.dma_semaphore, #tpu.memory_space<semaphore_mem>>)
      %dma_wait3A = arith.constant 0 : i32
      %dma_wait3A_20 = arith.constant 0 : i32
      %dma_wait3A_21 = tpu.memref_slice %arg4[%add3A, %dma_wait3A, %dma_wait3A_20] : memref<32x79x128xi32, #tpu.memory_space<hbm>> -> memref<1x79x128xi32, #tpu.memory_space<hbm>>
      %dma_wait3A_22 = tpu.memref_squeeze %dma_wait3A_21 : memref<1x79x128xi32, #tpu.memory_space<hbm>> -> memref<79x128xi32, #tpu.memory_space<hbm>>
      %dma_wait3A_23 = arith.constant 0 : i32
      %dma_wait3A_24 = arith.constant 0 : i32
      %dma_wait3A_25 = tpu.memref_slice %arg4[%add3A, %dma_wait3A_23, %dma_wait3A_24] : memref<32x79x128xi32, #tpu.memory_space<hbm>> -> memref<1x79x128xi32, #tpu.memory_space<hbm>>
      %dma_wait3A_26 = tpu.memref_squeeze %dma_wait3A_25 : memref<1x79x128xi32, #tpu.memory_space<hbm>> -> memref<79x128xi32, #tpu.memory_space<hbm>>
      tpu.wait_dma2 semaphore(%run_scoped3A : memref<!tpu.dma_semaphore, #tpu.memory_space<semaphore_mem>>) src(%dma_wait3A_26 : memref<79x128xi32, #tpu.memory_space<hbm>>) dst(%arg8 : memref<79x128xi32, #tpu.memory_space<vmem>>)
      tpu.yield
    }) : () -> ()
    %mul3A_1 = arith.constant 632 : i32
    %mul3A_2 = arith.muli %arg1, %mul3A_1 : i32
    "tpu.region"() ({
      %run_scoped3A = tpu.sem_alloc : memref<!tpu.dma_semaphore, #tpu.memory_space<semaphore_mem>>
      %dma_start3A = arith.constant 0 : i32
      %dma_start3A_13 = tpu.memref_slice %arg10[%mul3A_2, %dma_start3A] : memref<10112x128xf32, #tpu.memory_space<vmem_shared>> -> memref<632x128xf32, #tpu.memory_space<vmem_shared>>
      tpu.enqueue_dma source(%arg5 : memref<632x128xf32, #tpu.memory_space<hbm>>) target(%dma_start3A_13 : memref<632x128xf32, #tpu.memory_space<vmem_shared>>) target_semaphore(%run_scoped3A : memref<!tpu.dma_semaphore, #tpu.memory_space<semaphore_mem>>)
      %dma_wait3A = arith.constant 0 : i32
      %dma_wait3A_14 = tpu.memref_slice %arg10[%mul3A_2, %dma_wait3A] : memref<10112x128xf32, #tpu.memory_space<vmem_shared>> -> memref<632x128xf32, #tpu.memory_space<vmem_shared>>
      tpu.wait_dma2 semaphore(%run_scoped3A : memref<!tpu.dma_semaphore, #tpu.memory_space<semaphore_mem>>) src(%arg5 : memref<632x128xf32, #tpu.memory_space<hbm>>) dst(%dma_wait3A_14 : memref<632x128xf32, #tpu.memory_space<vmem_shared>>)
      tpu.yield
    }) : () -> ()
    %barrier3A = arith.constant 0 : index
    tpu.barrier barrier_id(%barrier3A)
    %scan3A = arith.constant 0 : i32
    %scan3A_3 = arith.constant 0 : i32
    %scan3A_4 = arith.constant 79 : i32
    %scan3A_5 = arith.addi %scan3A_3, %scan3A_4 : i32
    %scan3A_6 = arith.constant 1 : i32
    scf.for %scan3A_13 = %scan3A_3 to %scan3A_5 step %scan3A_6  : i32 {
      %dma_start3A = arith.constant 0 : i32
      %dma_start3A_14 = tpu.memref_slice %arg7[%scan3A_13, %dma_start3A] : memref<79x128xi32, #tpu.memory_space<vmem>> -> memref<1x128xi32, #tpu.memory_space<vmem>>
      %dma_start3A_15 = tpu.memref_squeeze %dma_start3A_14 : memref<1x128xi32, #tpu.memory_space<vmem>> -> memref<128xi32, #tpu.memory_space<vmem>>
      %dma_start3A_16 = arith.constant 0 : i32
      %dma_start3A_17 = arith.constant 0 : i32
      %dma_start3A_18 = tpu.memref_slice %arg2[%dma_start3A_16, %dma_start3A_17] : memref<10000x128xf32, #tpu.memory_space<hbm>> -> memref<10000x128xf32, #tpu.memory_space<hbm>>
      tpu.enqueue_indirect_dma source(%dma_start3A_18 : memref<10000x128xf32, #tpu.memory_space<hbm>>) target(%arg9 : memref<128x128xf32, #tpu.memory_space<vmem>>) offsets(%dma_start3A_15 : memref<128xi32, #tpu.memory_space<vmem>>) semaphore(%arg11 : memref<!tpu.dma_semaphore, #tpu.memory_space<semaphore_mem>>)
      %dma_wait3A = arith.constant 0 : i32
      %dma_wait3A_19 = tpu.memref_slice %arg7[%scan3A_13, %dma_wait3A] : memref<79x128xi32, #tpu.memory_space<vmem>> -> memref<1x128xi32, #tpu.memory_space<vmem>>
      %dma_wait3A_20 = tpu.memref_squeeze %dma_wait3A_19 : memref<1x128xi32, #tpu.memory_space<vmem>> -> memref<128xi32, #tpu.memory_space<vmem>>
      %dma_wait3A_21 = arith.constant 0 : i32
      %dma_wait3A_22 = arith.constant 0 : i32
      %dma_wait3A_23 = tpu.memref_slice %arg2[%dma_wait3A_21, %dma_wait3A_22] : memref<10000x128xf32, #tpu.memory_space<hbm>> -> memref<10000x128xf32, #tpu.memory_space<hbm>>
      tpu.wait_indirect_dma semaphore(%arg11 : memref<!tpu.dma_semaphore, #tpu.memory_space<semaphore_mem>>) src(%dma_wait3A_23 : memref<10000x128xf32, #tpu.memory_space<hbm>>) dst(%arg9 : memref<128x128xf32, #tpu.memory_space<vmem>>)
      "tpu.region"() ({
        %run_scoped3A = tpu.sem_alloc : memref<!tpu.dma_semaphore, #tpu.memory_space<semaphore_mem>>
        %dma_start3A_24 = arith.constant 0 : i32
        %dma_start3A_25 = tpu.memref_slice %arg8[%scan3A_13, %dma_start3A_24] : memref<79x128xi32, #tpu.memory_space<vmem>> -> memref<1x128xi32, #tpu.memory_space<vmem>>
        %dma_start3A_26 = tpu.memref_squeeze %dma_start3A_25 : memref<1x128xi32, #tpu.memory_space<vmem>> -> memref<128xi32, #tpu.memory_space<vmem>>
        %dma_start3A_27 = arith.constant 0 : i32
        %dma_start3A_28 = arith.constant 0 : i32
        %dma_start3A_29 = tpu.memref_slice %arg10[%dma_start3A_27, %dma_start3A_28] : memref<10112x128xf32, #tpu.memory_space<vmem_shared>> -> memref<10112x128xf32, #tpu.memory_space<vmem_shared>>
        tpu.enqueue_indirect_dma source(%arg9 : memref<128x128xf32, #tpu.memory_space<vmem>>) target(%dma_start3A_29 : memref<10112x128xf32, #tpu.memory_space<vmem_shared>>) offsets(%dma_start3A_26 : memref<128xi32, #tpu.memory_space<vmem>>) semaphore(%run_scoped3A : memref<!tpu.dma_semaphore, #tpu.memory_space<semaphore_mem>>) {add = true}
        %dma_wait3A_30 = arith.constant 0 : i32
        %dma_wait3A_31 = tpu.memref_slice %arg8[%scan3A_13, %dma_wait3A_30] : memref<79x128xi32, #tpu.memory_space<vmem>> -> memref<1x128xi32, #tpu.memory_space<vmem>>
        %dma_wait3A_32 = tpu.memref_squeeze %dma_wait3A_31 : memref<1x128xi32, #tpu.memory_space<vmem>> -> memref<128xi32, #tpu.memory_space<vmem>>
        %dma_wait3A_33 = arith.constant 0 : i32
        %dma_wait3A_34 = arith.constant 0 : i32
        %dma_wait3A_35 = tpu.memref_slice %arg10[%dma_wait3A_33, %dma_wait3A_34] : memref<10112x128xf32, #tpu.memory_space<vmem_shared>> -> memref<10112x128xf32, #tpu.memory_space<vmem_shared>>
        tpu.wait_indirect_dma semaphore(%run_scoped3A : memref<!tpu.dma_semaphore, #tpu.memory_space<semaphore_mem>>) src(%arg9 : memref<128x128xf32, #tpu.memory_space<vmem>>) dst(%dma_wait3A_35 : memref<10112x128xf32, #tpu.memory_space<vmem_shared>>)
        tpu.yield
      }) : () -> ()
    }
    %scan3A_7 = arith.constant 79 : i32
    %barrier3A_8 = arith.constant 0 : index
    tpu.barrier barrier_id(%barrier3A_8)
    %mul3A_9 = arith.constant 632 : i32
    %mul3A_10 = arith.muli %arg1, %mul3A_9 : i32
    %mul3A_11 = arith.constant 632 : i32
    %mul3A_12 = arith.muli %arg1, %mul3A_11 : i32
    "tpu.region"() ({
      %run_scoped3A = tpu.sem_alloc : memref<!tpu.dma_semaphore, #tpu.memory_space<semaphore_mem>>
      %dma_start3A = arith.constant 0 : i32
      %dma_start3A_13 = arith.constant 0 : i32
      %dma_start3A_14 = tpu.memref_slice %arg6[%arg0, %dma_start3A, %dma_start3A_13] : memref<2x10112x128xf32, #tpu.memory_space<hbm>> -> memref<1x10112x128xf32, #tpu.memory_space<hbm>>
      %dma_start3A_15 = tpu.memref_squeeze %dma_start3A_14 : memref<1x10112x128xf32, #tpu.memory_space<hbm>> -> memref<10112x128xf32, #tpu.memory_space<hbm>>
      %dma_start3A_16 = arith.constant 0 : i32
      %dma_start3A_17 = tpu.memref_slice %dma_start3A_15[%mul3A_12, %dma_start3A_16] : memref<10112x128xf32, #tpu.memory_space<hbm>> -> memref<632x128xf32, #tpu.memory_space<hbm>>
      %dma_start3A_18 = arith.constant 0 : i32
      %dma_start3A_19 = tpu.memref_slice %arg10[%mul3A_10, %dma_start3A_18] : memref<10112x128xf32, #tpu.memory_space<vmem_shared>> -> memref<632x128xf32, #tpu.memory_space<vmem_shared>>
      tpu.enqueue_dma source(%dma_start3A_19 : memref<632x128xf32, #tpu.memory_space<vmem_shared>>) target(%dma_start3A_17 : memref<632x128xf32, #tpu.memory_space<hbm>>) target_semaphore(%run_scoped3A : memref<!tpu.dma_semaphore, #tpu.memory_space<semaphore_mem>>)
      %dma_wait3A = arith.constant 0 : i32
      %dma_wait3A_20 = arith.constant 0 : i32
      %dma_wait3A_21 = tpu.memref_slice %arg6[%arg0, %dma_wait3A, %dma_wait3A_20] : memref<2x10112x128xf32, #tpu.memory_space<hbm>> -> memref<1x10112x128xf32, #tpu.memory_space<hbm>>
      %dma_wait3A_22 = tpu.memref_squeeze %dma_wait3A_21 : memref<1x10112x128xf32, #tpu.memory_space<hbm>> -> memref<10112x128xf32, #tpu.memory_space<hbm>>
      %dma_wait3A_23 = arith.constant 0 : i32
      %dma_wait3A_24 = tpu.memref_slice %dma_wait3A_22[%mul3A_12, %dma_wait3A_23] : memref<10112x128xf32, #tpu.memory_space<hbm>> -> memref<632x128xf32, #tpu.memory_space<hbm>>
      %dma_wait3A_25 = arith.constant 0 : i32
      %dma_wait3A_26 = tpu.memref_slice %arg10[%mul3A_10, %dma_wait3A_25] : memref<10112x128xf32, #tpu.memory_space<vmem_shared>> -> memref<632x128xf32, #tpu.memory_space<vmem_shared>>
      tpu.wait_dma2 semaphore(%run_scoped3A : memref<!tpu.dma_semaphore, #tpu.memory_space<semaphore_mem>>) src(%dma_wait3A_26 : memref<632x128xf32, #tpu.memory_space<vmem_shared>>) dst(%dma_wait3A_24 : memref<632x128xf32, #tpu.memory_space<hbm>>)
      tpu.yield
    }) : () -> ()
    return
  }
}

module attributes {stable_mosaic.version = 14 : i64} {
  func.func @_mm_stats_body(%arg0: i32, %arg1: memref<1x1xf32, #tpu.memory_space<smem>>, %arg2: memref<5000x128xf32, #tpu.memory_space<vmem>>, %arg3: memref<2x5000x128xf32, #tpu.memory_space<vmem>>, %arg4: memref<128x128xf32, #tpu.memory_space<vmem>>, %arg5: memref<5000x128xf32, #tpu.memory_space<vmem>>, %arg6: memref<2x128xf32, #tpu.memory_space<vmem>>) attributes {dimension_semantics = [#tpu.dimension_semantics<arbitrary>], iteration_bounds = array<i64: 2>, scalar_prefetch = 0 : i64, scratch_operands = 0 : i64, tpu.core_type = #tpu.core_type<tc>, window_params = [{transform_indices = @transform_0, window_bounds = array<i64: 1, 1>}, {transform_indices = @transform_1, window_bounds = array<i64: 5000, 128>}, {transform_indices = @transform_2, window_bounds = array<i64: 2, 5000, 128>}, {pipeline_mode = #tpu.pipeline_mode<synchronous>, transform_indices = @transform_3, window_bounds = array<i64: 128, 128>}, {transform_indices = @transform_4, window_bounds = array<i64: 5000, 128>}, {pipeline_mode = #tpu.pipeline_mode<synchronous>, transform_indices = @transform_5, window_bounds = array<i64: 2, 128>}]} {
    %get3A = arith.constant 0 : index
    %get3A_0 = arith.constant 0 : index
    %get3A_1 = vector.load %arg2[%get3A, %get3A_0] : memref<5000x128xf32, #tpu.memory_space<vmem>>, vector<5000x128xf32>
    %get3A_2 = arith.constant 0 : index
    %get3A_3 = arith.constant 0 : index
    %get3A_4 = memref.load %arg1[%get3A_2, %get3A_3] : memref<1x1xf32, #tpu.memory_space<smem>>
    %mul3A = vector.broadcast %get3A_4 : f32 to vector<5000x128xf32>
    %mul3A_5 = arith.mulf %get3A_1, %mul3A : vector<5000x128xf32>
    %get3A_6 = arith.constant 0 : index
    %get3A_7 = arith.constant 0 : index
    %get3A_8 = arith.constant 0 : index
    %get3A_9 = vector.load %arg3[%get3A_6, %get3A_7, %get3A_8] : memref<2x5000x128xf32, #tpu.memory_space<vmem>>, vector<1x5000x128xf32>
    %get3A_10 = vector.shape_cast %get3A_9 : vector<1x5000x128xf32> to vector<5000x128xf32>
    %add3A = arith.addf %mul3A_5, %get3A_10 : vector<5000x128xf32>
    %get3A_11 = arith.constant 1 : index
    %get3A_12 = arith.constant 0 : index
    %get3A_13 = arith.constant 0 : index
    %get3A_14 = vector.load %arg3[%get3A_11, %get3A_12, %get3A_13] : memref<2x5000x128xf32, #tpu.memory_space<vmem>>, vector<1x5000x128xf32>
    %get3A_15 = vector.shape_cast %get3A_14 : vector<1x5000x128xf32> to vector<5000x128xf32>
    %add3A_16 = arith.addf %add3A, %get3A_15 : vector<5000x128xf32>
    %get3A_17 = arith.constant 0 : index
    %get3A_18 = arith.constant 0 : index
    %get3A_19 = vector.load %arg4[%get3A_17, %get3A_18] : memref<128x128xf32, #tpu.memory_space<vmem>>, vector<128x128xf32>
    %dot_general3A = arith.constant dense<0.000000e+00> : vector<5000x128xf32>
    %dot_general3A_20 = tpu.matmul %add3A_16, %get3A_19, %dot_general3A {dimension_numbers = #tpu.dot_dimension_numbers<[1], [0], [0], [1], [0, 0, 1, 1], [], []>, transpose_lhs_hint = false} : vector<5000x128xf32>, vector<128x128xf32>, vector<5000x128xf32> -> vector<5000x128xf32>
    %swap3A = arith.constant 0 : index
    %swap3A_21 = arith.constant 0 : index
    %swap3A_22 = vector.load %arg5[%swap3A, %swap3A_21] : memref<5000x128xf32, #tpu.memory_space<vmem>>, vector<5000x128xf32>
    tpu.vector_store %arg5[%swap3A, %swap3A_21], %dot_general3A_20 {strides = array<i32>} : memref<5000x128xf32, #tpu.memory_space<vmem>>, vector<5000x128xf32>,
    %reduce_sum3A = arith.constant dense<0.000000e+00> : vector<128xf32>
    %reduce_sum3A_23 = vector.multi_reduction <add>, %dot_general3A_20, %reduce_sum3A [0] : vector<5000x128xf32> to vector<128xf32>
    %broadcast_in_dim3A = vector.shape_cast %reduce_sum3A_23 : vector<128xf32> to vector<1x128xf32>
    %mul3A_24 = arith.mulf %dot_general3A_20, %dot_general3A_20 : vector<5000x128xf32>
    %reduce_sum3A_25 = arith.constant dense<0.000000e+00> : vector<128xf32>
    %reduce_sum3A_26 = vector.multi_reduction <add>, %mul3A_24, %reduce_sum3A_25 [0] : vector<5000x128xf32> to vector<128xf32>
    %broadcast_in_dim3A_27 = vector.shape_cast %reduce_sum3A_26 : vector<128xf32> to vector<1x128xf32>
    %concatenate3A = tpu.concatenate %broadcast_in_dim3A, %broadcast_in_dim3A_27 in 0 : vector<1x128xf32>, vector<1x128xf32> -> vector<2x128xf32>
    %eq3A = arith.constant 0 : i32
    %eq3A_28 = arith.cmpi eq, %arg0, %eq3A : i32
    %convert_element_type3A = arith.extui %eq3A_28 : i1 to i32
    %cond3A = arith.constant 0 : i32
    %cond3A_29 = arith.cmpi ne, %convert_element_type3A, %cond3A : i32
    scf.if %cond3A_29 {
      %swap3A_34 = arith.constant 0 : index
      %swap3A_35 = arith.constant 0 : index
      %swap3A_36 = vector.load %arg6[%swap3A_34, %swap3A_35] : memref<2x128xf32, #tpu.memory_space<vmem>>, vector<2x128xf32>
      tpu.vector_store %arg6[%swap3A_34, %swap3A_35], %concatenate3A {strides = array<i32>} : memref<2x128xf32, #tpu.memory_space<vmem>>, vector<2x128xf32>,
    } else {
    }
    %gt3A = arith.constant 0 : i32
    %gt3A_30 = arith.cmpi sgt, %arg0, %gt3A : i32
    %convert_element_type3A_31 = arith.extui %gt3A_30 : i1 to i32
    %cond3A_32 = arith.constant 0 : i32
    %cond3A_33 = arith.cmpi ne, %convert_element_type3A_31, %cond3A_32 : i32
    scf.if %cond3A_33 {
      %get3A_34 = arith.constant 0 : index
      %get3A_35 = arith.constant 0 : index
      %get3A_36 = vector.load %arg6[%get3A_34, %get3A_35] : memref<2x128xf32, #tpu.memory_space<vmem>>, vector<2x128xf32>
      %add3A_37 = arith.addf %get3A_36, %concatenate3A : vector<2x128xf32>
      %swap3A_38 = arith.constant 0 : index
      %swap3A_39 = arith.constant 0 : index
      %swap3A_40 = vector.load %arg6[%swap3A_38, %swap3A_39] : memref<2x128xf32, #tpu.memory_space<vmem>>, vector<2x128xf32>
      tpu.vector_store %arg6[%swap3A_38, %swap3A_39], %add3A_37 {strides = array<i32>} : memref<2x128xf32, #tpu.memory_space<vmem>>, vector<2x128xf32>,
    } else {
    }
    return
  }
  func.func @transform_0(%arg0: i32) -> (i32, i32) {
    %c0_i32 = arith.constant 0 : i32
    %c0_i32_0 = arith.constant 0 : i32
    %c0_i32_1 = arith.constant 0 : i32
    return %c0_i32, %c0_i32_0 : i32, i32
  }
  func.func @transform_1(%arg0: i32) -> (i32, i32) {
    %c0_i32 = arith.constant 0 : i32
    %c0_i32_0 = arith.constant 0 : i32
    return %arg0, %c0_i32 : i32, i32
  }
  func.func @transform_2(%arg0: i32) -> (i32, i32, i32) {
    %c0_i32 = arith.constant 0 : i32
    %c0_i32_0 = arith.constant 0 : i32
    %c0_i32_1 = arith.constant 0 : i32
    return %c0_i32, %arg0, %c0_i32_0 : i32, i32, i32
  }
  func.func @transform_3(%arg0: i32) -> (i32, i32) {
    %c0_i32 = arith.constant 0 : i32
    %c0_i32_0 = arith.constant 0 : i32
    %c0_i32_1 = arith.constant 0 : i32
    return %c0_i32, %c0_i32_0 : i32, i32
  }
  func.func @transform_4(%arg0: i32) -> (i32, i32) {
    %c0_i32 = arith.constant 0 : i32
    %c0_i32_0 = arith.constant 0 : i32
    return %arg0, %c0_i32 : i32, i32
  }
  func.func @transform_5(%arg0: i32) -> (i32, i32) {
    %c0_i32 = arith.constant 0 : i32
    %c0_i32_0 = arith.constant 0 : i32
    %c0_i32_1 = arith.constant 0 : i32
    return %c0_i32, %c0_i32_0 : i32, i32
  }
}

module attributes {stable_mosaic.version = 14 : i64} {
  func.func @_bn_relu_body(%arg0: i32, %arg1: memref<2x128xf32, #tpu.memory_space<vmem>>, %arg2: memref<1x128xf32, #tpu.memory_space<vmem>>, %arg3: memref<1x128xf32, #tpu.memory_space<vmem>>, %arg4: memref<5000x128xf32, #tpu.memory_space<vmem>>, %arg5: memref<5000x128xf32, #tpu.memory_space<vmem>>) attributes {dimension_semantics = [#tpu.dimension_semantics<arbitrary>], iteration_bounds = array<i64: 2>, scalar_prefetch = 0 : i64, scratch_operands = 0 : i64, tpu.core_type = #tpu.core_type<tc>, window_params = [{pipeline_mode = #tpu.pipeline_mode<synchronous>, transform_indices = @transform_0, window_bounds = array<i64: 2, 128>}, {pipeline_mode = #tpu.pipeline_mode<synchronous>, transform_indices = @transform_1, window_bounds = array<i64: 1, 128>}, {pipeline_mode = #tpu.pipeline_mode<synchronous>, transform_indices = @transform_2, window_bounds = array<i64: 1, 128>}, {transform_indices = @transform_3, window_bounds = array<i64: 5000, 128>}, {transform_indices = @transform_4, window_bounds = array<i64: 5000, 128>}]} {
    %get3A = arith.constant 0 : index
    %get3A_0 = arith.constant 0 : index
    %get3A_1 = vector.load %arg1[%get3A, %get3A_0] : memref<2x128xf32, #tpu.memory_space<vmem>>, vector<1x128xf32>
    %mul3A = arith.constant 9.99999974E-5 : f32
    %mul3A_2 = vector.broadcast %mul3A : f32 to vector<1x128xf32>
    %mul3A_3 = arith.mulf %get3A_1, %mul3A_2 : vector<1x128xf32>
    %get3A_4 = arith.constant 1 : index
    %get3A_5 = arith.constant 0 : index
    %get3A_6 = vector.load %arg1[%get3A_4, %get3A_5] : memref<2x128xf32, #tpu.memory_space<vmem>>, vector<1x128xf32>
    %mul3A_7 = arith.constant 9.99999974E-5 : f32
    %mul3A_8 = vector.broadcast %mul3A_7 : f32 to vector<1x128xf32>
    %mul3A_9 = arith.mulf %get3A_6, %mul3A_8 : vector<1x128xf32>
    %mul3A_10 = arith.mulf %mul3A_3, %mul3A_3 : vector<1x128xf32>
    %sub3A = arith.subf %mul3A_9, %mul3A_10 : vector<1x128xf32>
    %add3A = arith.constant 9.99999974E-6 : f32
    %add3A_11 = vector.broadcast %add3A : f32 to vector<1x128xf32>
    %add3A_12 = arith.addf %sub3A, %add3A_11 : vector<1x128xf32>
    %rsqrt3A = math.rsqrt %add3A_12 : vector<1x128xf32>
    %get3A_13 = arith.constant 0 : index
    %get3A_14 = arith.constant 0 : index
    %get3A_15 = vector.load %arg2[%get3A_13, %get3A_14] : memref<1x128xf32, #tpu.memory_space<vmem>>, vector<1x128xf32>
    %mul3A_16 = arith.mulf %get3A_15, %rsqrt3A : vector<1x128xf32>
    %get3A_17 = arith.constant 0 : index
    %get3A_18 = arith.constant 0 : index
    %get3A_19 = vector.load %arg3[%get3A_17, %get3A_18] : memref<1x128xf32, #tpu.memory_space<vmem>>, vector<1x128xf32>
    %mul3A_20 = arith.mulf %mul3A_3, %mul3A_16 : vector<1x128xf32>
    %sub3A_21 = arith.subf %get3A_19, %mul3A_20 : vector<1x128xf32>
    %get3A_22 = arith.constant 0 : index
    %get3A_23 = arith.constant 0 : index
    %get3A_24 = vector.load %arg4[%get3A_22, %get3A_23] : memref<5000x128xf32, #tpu.memory_space<vmem>>, vector<5000x128xf32>
    %mul3A_25 = vector.broadcast %mul3A_16 : vector<1x128xf32> to vector<5000x128xf32>
    %mul3A_26 = arith.mulf %get3A_24, %mul3A_25 : vector<5000x128xf32>
    %add3A_27 = vector.broadcast %sub3A_21 : vector<1x128xf32> to vector<5000x128xf32>
    %add3A_28 = arith.addf %mul3A_26, %add3A_27 : vector<5000x128xf32>
    %max3A = arith.constant 0.000000e+00 : f32
    %max3A_29 = vector.broadcast %max3A : f32 to vector<5000x128xf32>
    %max3A_30 = arith.maximumf %add3A_28, %max3A_29 : vector<5000x128xf32>
    %swap3A = arith.constant 0 : index
    %swap3A_31 = arith.constant 0 : index
    %swap3A_32 = vector.load %arg5[%swap3A, %swap3A_31] : memref<5000x128xf32, #tpu.memory_space<vmem>>, vector<5000x128xf32>
    tpu.vector_store %arg5[%swap3A, %swap3A_31], %max3A_30 {strides = array<i32>} : memref<5000x128xf32, #tpu.memory_space<vmem>>, vector<5000x128xf32>,
    return
  }
  func.func @transform_0(%arg0: i32) -> (i32, i32) {
    %c0_i32 = arith.constant 0 : i32
    %c0_i32_0 = arith.constant 0 : i32
    %c0_i32_1 = arith.constant 0 : i32
    return %c0_i32, %c0_i32_0 : i32, i32
  }
  func.func @transform_1(%arg0: i32) -> (i32, i32) {
    %c0_i32 = arith.constant 0 : i32
    %c0_i32_0 = arith.constant 0 : i32
    %c0_i32_1 = arith.constant 0 : i32
    return %c0_i32, %c0_i32_0 : i32, i32
  }
  func.func @transform_2(%arg0: i32) -> (i32, i32) {
    %c0_i32 = arith.constant 0 : i32
    %c0_i32_0 = arith.constant 0 : i32
    %c0_i32_1 = arith.constant 0 : i32
    return %c0_i32, %c0_i32_0 : i32, i32
  }
  func.func @transform_3(%arg0: i32) -> (i32, i32) {
    %c0_i32 = arith.constant 0 : i32
    %c0_i32_0 = arith.constant 0 : i32
    return %arg0, %c0_i32 : i32, i32
  }
  func.func @transform_4(%arg0: i32) -> (i32, i32) {
    %c0_i32 = arith.constant 0 : i32
    %c0_i32_0 = arith.constant 0 : i32
    return %arg0, %c0_i32 : i32, i32
  }
}

module attributes {stable_mosaic.version = 14 : i64} {
  func.func @_bn_relu_mm_body(%arg0: i32, %arg1: memref<2x128xf32, #tpu.memory_space<vmem>>, %arg2: memref<1x128xf32, #tpu.memory_space<vmem>>, %arg3: memref<1x128xf32, #tpu.memory_space<vmem>>, %arg4: memref<5000x128xf32, #tpu.memory_space<vmem>>, %arg5: memref<128x128xf32, #tpu.memory_space<vmem>>, %arg6: memref<5000x128xf32, #tpu.memory_space<vmem>>, %arg7: memref<2x128xf32, #tpu.memory_space<vmem>>) attributes {dimension_semantics = [#tpu.dimension_semantics<arbitrary>], iteration_bounds = array<i64: 2>, scalar_prefetch = 0 : i64, scratch_operands = 0 : i64, tpu.core_type = #tpu.core_type<tc>, window_params = [{pipeline_mode = #tpu.pipeline_mode<synchronous>, transform_indices = @transform_0, window_bounds = array<i64: 2, 128>}, {pipeline_mode = #tpu.pipeline_mode<synchronous>, transform_indices = @transform_1, window_bounds = array<i64: 1, 128>}, {pipeline_mode = #tpu.pipeline_mode<synchronous>, transform_indices = @transform_2, window_bounds = array<i64: 1, 128>}, {transform_indices = @transform_3, window_bounds = array<i64: 5000, 128>}, {pipeline_mode = #tpu.pipeline_mode<synchronous>, transform_indices = @transform_4, window_bounds = array<i64: 128, 128>}, {transform_indices = @transform_5, window_bounds = array<i64: 5000, 128>}, {pipeline_mode = #tpu.pipeline_mode<synchronous>, transform_indices = @transform_6, window_bounds = array<i64: 2, 128>}]} {
    %get3A = arith.constant 0 : index
    %get3A_0 = arith.constant 0 : index
    %get3A_1 = vector.load %arg1[%get3A, %get3A_0] : memref<2x128xf32, #tpu.memory_space<vmem>>, vector<1x128xf32>
    %mul3A = arith.constant 9.99999974E-5 : f32
    %mul3A_2 = vector.broadcast %mul3A : f32 to vector<1x128xf32>
    %mul3A_3 = arith.mulf %get3A_1, %mul3A_2 : vector<1x128xf32>
    %get3A_4 = arith.constant 1 : index
    %get3A_5 = arith.constant 0 : index
    %get3A_6 = vector.load %arg1[%get3A_4, %get3A_5] : memref<2x128xf32, #tpu.memory_space<vmem>>, vector<1x128xf32>
    %mul3A_7 = arith.constant 9.99999974E-5 : f32
    %mul3A_8 = vector.broadcast %mul3A_7 : f32 to vector<1x128xf32>
    %mul3A_9 = arith.mulf %get3A_6, %mul3A_8 : vector<1x128xf32>
    %mul3A_10 = arith.mulf %mul3A_3, %mul3A_3 : vector<1x128xf32>
    %sub3A = arith.subf %mul3A_9, %mul3A_10 : vector<1x128xf32>
    %add3A = arith.constant 9.99999974E-6 : f32
    %add3A_11 = vector.broadcast %add3A : f32 to vector<1x128xf32>
    %add3A_12 = arith.addf %sub3A, %add3A_11 : vector<1x128xf32>
    %rsqrt3A = math.rsqrt %add3A_12 : vector<1x128xf32>
    %get3A_13 = arith.constant 0 : index
    %get3A_14 = arith.constant 0 : index
    %get3A_15 = vector.load %arg2[%get3A_13, %get3A_14] : memref<1x128xf32, #tpu.memory_space<vmem>>, vector<1x128xf32>
    %mul3A_16 = arith.mulf %get3A_15, %rsqrt3A : vector<1x128xf32>
    %get3A_17 = arith.constant 0 : index
    %get3A_18 = arith.constant 0 : index
    %get3A_19 = vector.load %arg3[%get3A_17, %get3A_18] : memref<1x128xf32, #tpu.memory_space<vmem>>, vector<1x128xf32>
    %mul3A_20 = arith.mulf %mul3A_3, %mul3A_16 : vector<1x128xf32>
    %sub3A_21 = arith.subf %get3A_19, %mul3A_20 : vector<1x128xf32>
    %get3A_22 = arith.constant 0 : index
    %get3A_23 = arith.constant 0 : index
    %get3A_24 = vector.load %arg4[%get3A_22, %get3A_23] : memref<5000x128xf32, #tpu.memory_space<vmem>>, vector<5000x128xf32>
    %mul3A_25 = vector.broadcast %mul3A_16 : vector<1x128xf32> to vector<5000x128xf32>
    %mul3A_26 = arith.mulf %get3A_24, %mul3A_25 : vector<5000x128xf32>
    %add3A_27 = vector.broadcast %sub3A_21 : vector<1x128xf32> to vector<5000x128xf32>
    %add3A_28 = arith.addf %mul3A_26, %add3A_27 : vector<5000x128xf32>
    %max3A = arith.constant 0.000000e+00 : f32
    %max3A_29 = vector.broadcast %max3A : f32 to vector<5000x128xf32>
    %max3A_30 = arith.maximumf %add3A_28, %max3A_29 : vector<5000x128xf32>
    %get3A_31 = arith.constant 0 : index
    %get3A_32 = arith.constant 0 : index
    %get3A_33 = vector.load %arg5[%get3A_31, %get3A_32] : memref<128x128xf32, #tpu.memory_space<vmem>>, vector<128x128xf32>
    %dot_general3A = arith.constant dense<0.000000e+00> : vector<5000x128xf32>
    %dot_general3A_34 = tpu.matmul %max3A_30, %get3A_33, %dot_general3A {dimension_numbers = #tpu.dot_dimension_numbers<[1], [0], [0], [1], [0, 0, 1, 1], [], []>, transpose_lhs_hint = false} : vector<5000x128xf32>, vector<128x128xf32>, vector<5000x128xf32> -> vector<5000x128xf32>
    %swap3A = arith.constant 0 : index
    %swap3A_35 = arith.constant 0 : index
    %swap3A_36 = vector.load %arg6[%swap3A, %swap3A_35] : memref<5000x128xf32, #tpu.memory_space<vmem>>, vector<5000x128xf32>
    tpu.vector_store %arg6[%swap3A, %swap3A_35], %dot_general3A_34 {strides = array<i32>} : memref<5000x128xf32, #tpu.memory_space<vmem>>, vector<5000x128xf32>,
    %reduce_sum3A = arith.constant dense<0.000000e+00> : vector<128xf32>
    %reduce_sum3A_37 = vector.multi_reduction <add>, %dot_general3A_34, %reduce_sum3A [0] : vector<5000x128xf32> to vector<128xf32>
    %broadcast_in_dim3A = vector.shape_cast %reduce_sum3A_37 : vector<128xf32> to vector<1x128xf32>
    %mul3A_38 = arith.mulf %dot_general3A_34, %dot_general3A_34 : vector<5000x128xf32>
    %reduce_sum3A_39 = arith.constant dense<0.000000e+00> : vector<128xf32>
    %reduce_sum3A_40 = vector.multi_reduction <add>, %mul3A_38, %reduce_sum3A_39 [0] : vector<5000x128xf32> to vector<128xf32>
    %broadcast_in_dim3A_41 = vector.shape_cast %reduce_sum3A_40 : vector<128xf32> to vector<1x128xf32>
    %concatenate3A = tpu.concatenate %broadcast_in_dim3A, %broadcast_in_dim3A_41 in 0 : vector<1x128xf32>, vector<1x128xf32> -> vector<2x128xf32>
    %eq3A = arith.constant 0 : i32
    %eq3A_42 = arith.cmpi eq, %arg0, %eq3A : i32
    %convert_element_type3A = arith.extui %eq3A_42 : i1 to i32
    %cond3A = arith.constant 0 : i32
    %cond3A_43 = arith.cmpi ne, %convert_element_type3A, %cond3A : i32
    scf.if %cond3A_43 {
      %swap3A_48 = arith.constant 0 : index
      %swap3A_49 = arith.constant 0 : index
      %swap3A_50 = vector.load %arg7[%swap3A_48, %swap3A_49] : memref<2x128xf32, #tpu.memory_space<vmem>>, vector<2x128xf32>
      tpu.vector_store %arg7[%swap3A_48, %swap3A_49], %concatenate3A {strides = array<i32>} : memref<2x128xf32, #tpu.memory_space<vmem>>, vector<2x128xf32>,
    } else {
    }
    %gt3A = arith.constant 0 : i32
    %gt3A_44 = arith.cmpi sgt, %arg0, %gt3A : i32
    %convert_element_type3A_45 = arith.extui %gt3A_44 : i1 to i32
    %cond3A_46 = arith.constant 0 : i32
    %cond3A_47 = arith.cmpi ne, %convert_element_type3A_45, %cond3A_46 : i32
    scf.if %cond3A_47 {
      %get3A_48 = arith.constant 0 : index
      %get3A_49 = arith.constant 0 : index
      %get3A_50 = vector.load %arg7[%get3A_48, %get3A_49] : memref<2x128xf32, #tpu.memory_space<vmem>>, vector<2x128xf32>
      %add3A_51 = arith.addf %get3A_50, %concatenate3A : vector<2x128xf32>
      %swap3A_52 = arith.constant 0 : index
      %swap3A_53 = arith.constant 0 : index
      %swap3A_54 = vector.load %arg7[%swap3A_52, %swap3A_53] : memref<2x128xf32, #tpu.memory_space<vmem>>, vector<2x128xf32>
      tpu.vector_store %arg7[%swap3A_52, %swap3A_53], %add3A_51 {strides = array<i32>} : memref<2x128xf32, #tpu.memory_space<vmem>>, vector<2x128xf32>,
    } else {
    }
    return
  }
  func.func @transform_0(%arg0: i32) -> (i32, i32) {
    %c0_i32 = arith.constant 0 : i32
    %c0_i32_0 = arith.constant 0 : i32
    %c0_i32_1 = arith.constant 0 : i32
    return %c0_i32, %c0_i32_0 : i32, i32
  }
  func.func @transform_1(%arg0: i32) -> (i32, i32) {
    %c0_i32 = arith.constant 0 : i32
    %c0_i32_0 = arith.constant 0 : i32
    %c0_i32_1 = arith.constant 0 : i32
    return %c0_i32, %c0_i32_0 : i32, i32
  }
  func.func @transform_2(%arg0: i32) -> (i32, i32) {
    %c0_i32 = arith.constant 0 : i32
    %c0_i32_0 = arith.constant 0 : i32
    %c0_i32_1 = arith.constant 0 : i32
    return %c0_i32, %c0_i32_0 : i32, i32
  }
  func.func @transform_3(%arg0: i32) -> (i32, i32) {
    %c0_i32 = arith.constant 0 : i32
    %c0_i32_0 = arith.constant 0 : i32
    return %arg0, %c0_i32 : i32, i32
  }
  func.func @transform_4(%arg0: i32) -> (i32, i32) {
    %c0_i32 = arith.constant 0 : i32
    %c0_i32_0 = arith.constant 0 : i32
    %c0_i32_1 = arith.constant 0 : i32
    return %c0_i32, %c0_i32_0 : i32, i32
  }
  func.func @transform_5(%arg0: i32) -> (i32, i32) {
    %c0_i32 = arith.constant 0 : i32
    %c0_i32_0 = arith.constant 0 : i32
    return %arg0, %c0_i32 : i32, i32
  }
  func.func @transform_6(%arg0: i32) -> (i32, i32) {
    %c0_i32 = arith.constant 0 : i32
    %c0_i32_0 = arith.constant 0 : i32
    %c0_i32_1 = arith.constant 0 : i32
    return %c0_i32, %c0_i32_0 : i32, i32
  }
}

module attributes {stable_mosaic.version = 14 : i64} {
  func.func @_readout_body(%arg0: i32, %arg1: memref<2x128xf32, #tpu.memory_space<vmem>>, %arg2: memref<1x128xf32, #tpu.memory_space<vmem>>, %arg3: memref<1x128xf32, #tpu.memory_space<vmem>>, %arg4: memref<1x1x5000xi32, #tpu.memory_space<vmem>>, %arg5: memref<5000x128xf32, #tpu.memory_space<vmem>>, %arg6: memref<128x128xf32, #tpu.memory_space<vmem>>, %arg7: memref<1x128xf32, #tpu.memory_space<vmem>>, %arg8: memref<128x128xf32, #tpu.memory_space<vmem>>, %arg9: memref<1x128xf32, #tpu.memory_space<vmem>>, %arg10: memref<64x128xf32, #tpu.memory_space<vmem>>, %arg11: memref<64x128xf32, #tpu.memory_space<vmem>>, %arg12: memref<5000x128xf32, #tpu.memory_space<vmem>>, %arg13: memref<64x128xf32, #tpu.memory_space<vmem>>, %arg14: memref<64x128xf32, #tpu.memory_space<vmem>>) attributes {dimension_semantics = [#tpu.dimension_semantics<arbitrary>], iteration_bounds = array<i64: 2>, scalar_prefetch = 0 : i64, scratch_operands = 2 : i64, tpu.core_type = #tpu.core_type<tc>, window_params = [{pipeline_mode = #tpu.pipeline_mode<synchronous>, transform_indices = @transform_0, window_bounds = array<i64: 2, 128>}, {pipeline_mode = #tpu.pipeline_mode<synchronous>, transform_indices = @transform_1, window_bounds = array<i64: 1, 128>}, {pipeline_mode = #tpu.pipeline_mode<synchronous>, transform_indices = @transform_2, window_bounds = array<i64: 1, 128>}, {transform_indices = @transform_3, window_bounds = array<i64: 1, 1, 5000>}, {transform_indices = @transform_4, window_bounds = array<i64: 5000, 128>}, {pipeline_mode = #tpu.pipeline_mode<synchronous>, transform_indices = @transform_5, window_bounds = array<i64: 128, 128>}, {pipeline_mode = #tpu.pipeline_mode<synchronous>, transform_indices = @transform_6, window_bounds = array<i64: 1, 128>}, {pipeline_mode = #tpu.pipeline_mode<synchronous>, transform_indices = @transform_7, window_bounds = array<i64: 128, 128>}, {pipeline_mode = #tpu.pipeline_mode<synchronous>, transform_indices = @transform_8, window_bounds = array<i64: 1, 128>}, {pipeline_mode = #tpu.pipeline_mode<synchronous>, transform_indices = @transform_9, window_bounds = array<i64: 64, 128>}, {pipeline_mode = #tpu.pipeline_mode<synchronous>, transform_indices = @transform_10, window_bounds = array<i64: 64, 128>}, {transform_indices = @transform_11, window_bounds = array<i64: 5000, 128>}]} {
    %eq3A = arith.constant 0 : i32
    %eq3A_0 = arith.cmpi eq, %arg0, %eq3A : i32
    %convert_element_type3A = arith.extui %eq3A_0 : i1 to i32
    %cond3A = arith.constant 0 : i32
    %cond3A_1 = arith.cmpi ne, %convert_element_type3A, %cond3A : i32
    scf.if %cond3A_1 {
      %broadcast_in_dim3A_67 = arith.constant 0.000000e+00 : f32
      %broadcast_in_dim3A_68 = vector.broadcast %broadcast_in_dim3A_67 : f32 to vector<64x128xf32>
      %swap3A_69 = arith.constant 0 : index
      %swap3A_70 = arith.constant 0 : index
      %swap3A_71 = vector.load %arg13[%swap3A_69, %swap3A_70] : memref<64x128xf32, #tpu.memory_space<vmem>>, vector<64x128xf32>
      tpu.vector_store %arg13[%swap3A_69, %swap3A_70], %broadcast_in_dim3A_68 {strides = array<i32>} : memref<64x128xf32, #tpu.memory_space<vmem>>, vector<64x128xf32>,
      %broadcast_in_dim3A_72 = arith.constant 0.000000e+00 : f32
      %broadcast_in_dim3A_73 = vector.broadcast %broadcast_in_dim3A_72 : f32 to vector<64x128xf32>
      %swap3A_74 = arith.constant 0 : index
      %swap3A_75 = arith.constant 0 : index
      %swap3A_76 = vector.load %arg14[%swap3A_74, %swap3A_75] : memref<64x128xf32, #tpu.memory_space<vmem>>, vector<64x128xf32>
      tpu.vector_store %arg14[%swap3A_74, %swap3A_75], %broadcast_in_dim3A_73 {strides = array<i32>} : memref<64x128xf32, #tpu.memory_space<vmem>>, vector<64x128xf32>,
    } else {
    }
    %get3A = arith.constant 0 : index
    %get3A_2 = arith.constant 0 : index
    %get3A_3 = vector.load %arg1[%get3A, %get3A_2] : memref<2x128xf32, #tpu.memory_space<vmem>>, vector<1x128xf32>
    %mul3A = arith.constant 9.99999974E-5 : f32
    %mul3A_4 = vector.broadcast %mul3A : f32 to vector<1x128xf32>
    %mul3A_5 = arith.mulf %get3A_3, %mul3A_4 : vector<1x128xf32>
    %get3A_6 = arith.constant 1 : index
    %get3A_7 = arith.constant 0 : index
    %get3A_8 = vector.load %arg1[%get3A_6, %get3A_7] : memref<2x128xf32, #tpu.memory_space<vmem>>, vector<1x128xf32>
    %mul3A_9 = arith.constant 9.99999974E-5 : f32
    %mul3A_10 = vector.broadcast %mul3A_9 : f32 to vector<1x128xf32>
    %mul3A_11 = arith.mulf %get3A_8, %mul3A_10 : vector<1x128xf32>
    %mul3A_12 = arith.mulf %mul3A_5, %mul3A_5 : vector<1x128xf32>
    %sub3A = arith.subf %mul3A_11, %mul3A_12 : vector<1x128xf32>
    %add3A = arith.constant 9.99999974E-6 : f32
    %add3A_13 = vector.broadcast %add3A : f32 to vector<1x128xf32>
    %add3A_14 = arith.addf %sub3A, %add3A_13 : vector<1x128xf32>
    %rsqrt3A = math.rsqrt %add3A_14 : vector<1x128xf32>
    %get3A_15 = arith.constant 0 : index
    %get3A_16 = arith.constant 0 : index
    %get3A_17 = vector.load %arg2[%get3A_15, %get3A_16] : memref<1x128xf32, #tpu.memory_space<vmem>>, vector<1x128xf32>
    %mul3A_18 = arith.mulf %get3A_17, %rsqrt3A : vector<1x128xf32>
    %get3A_19 = arith.constant 0 : index
    %get3A_20 = arith.constant 0 : index
    %get3A_21 = vector.load %arg3[%get3A_19, %get3A_20] : memref<1x128xf32, #tpu.memory_space<vmem>>, vector<1x128xf32>
    %mul3A_22 = arith.mulf %mul3A_5, %mul3A_18 : vector<1x128xf32>
    %sub3A_23 = arith.subf %get3A_21, %mul3A_22 : vector<1x128xf32>
    %get3A_24 = arith.constant 0 : index
    %get3A_25 = arith.constant 0 : index
    %get3A_26 = vector.load %arg5[%get3A_24, %get3A_25] : memref<5000x128xf32, #tpu.memory_space<vmem>>, vector<5000x128xf32>
    %mul3A_27 = vector.broadcast %mul3A_18 : vector<1x128xf32> to vector<5000x128xf32>
    %mul3A_28 = arith.mulf %get3A_26, %mul3A_27 : vector<5000x128xf32>
    %add3A_29 = vector.broadcast %sub3A_23 : vector<1x128xf32> to vector<5000x128xf32>
    %add3A_30 = arith.addf %mul3A_28, %add3A_29 : vector<5000x128xf32>
    %max3A = arith.constant 0.000000e+00 : f32
    %max3A_31 = vector.broadcast %max3A : f32 to vector<5000x128xf32>
    %max3A_32 = arith.maximumf %add3A_30, %max3A_31 : vector<5000x128xf32>
    %swap3A = arith.constant 0 : index
    %swap3A_33 = arith.constant 0 : index
    %swap3A_34 = vector.load %arg12[%swap3A, %swap3A_33] : memref<5000x128xf32, #tpu.memory_space<vmem>>, vector<5000x128xf32>
    tpu.vector_store %arg12[%swap3A, %swap3A_33], %max3A_32 {strides = array<i32>} : memref<5000x128xf32, #tpu.memory_space<vmem>>, vector<5000x128xf32>,
    %get3A_35 = arith.constant 0 : index
    %get3A_36 = arith.constant 0 : index
    %get3A_37 = arith.constant 0 : index
    %get3A_38 = vector.load %arg4[%get3A_35, %get3A_36, %get3A_37] : memref<1x1x5000xi32, #tpu.memory_space<vmem>>, vector<1x1x5000xi32>
    %get3A_39 = vector.shape_cast %get3A_38 : vector<1x1x5000xi32> to vector<1x5000xi32>
    %iota3A = tpu.iota {dimensions = array<i32: 0>} : vector<64x5000xi32>
    %eq3A_40 = vector.broadcast %get3A_39 : vector<1x5000xi32> to vector<64x5000xi32>
    %eq3A_41 = arith.cmpi eq, %eq3A_40, %iota3A : vector<64x5000xi32>
    %convert_element_type3A_42 = arith.extui %eq3A_41 : vector<64x5000xi1> to vector<64x5000xi32>
    %convert_element_type3A_43 = arith.sitofp %convert_element_type3A_42 : vector<64x5000xi32> to vector<64x5000xf32>
    %get3A_44 = arith.constant 0 : index
    %get3A_45 = arith.constant 0 : index
    %get3A_46 = vector.load %arg13[%get3A_44, %get3A_45] : memref<64x128xf32, #tpu.memory_space<vmem>>, vector<64x128xf32>
    %dot_general3A = arith.constant dense<0.000000e+00> : vector<64x128xf32>
    %dot_general3A_47 = tpu.matmul %convert_element_type3A_43, %max3A_32, %dot_general3A {dimension_numbers = #tpu.dot_dimension_numbers<[1], [0], [0], [1], [0, 0, 1, 1], [], []>, transpose_lhs_hint = false} : vector<64x5000xf32>, vector<5000x128xf32>, vector<64x128xf32> -> vector<64x128xf32>
    %add3A_48 = arith.addf %get3A_46, %dot_general3A_47 : vector<64x128xf32>
    %swap3A_49 = arith.constant 0 : index
    %swap3A_50 = arith.constant 0 : index
    %swap3A_51 = vector.load %arg13[%swap3A_49, %swap3A_50] : memref<64x128xf32, #tpu.memory_space<vmem>>, vector<64x128xf32>
    tpu.vector_store %arg13[%swap3A_49, %swap3A_50], %add3A_48 {strides = array<i32>} : memref<64x128xf32, #tpu.memory_space<vmem>>, vector<64x128xf32>,
    %get3A_52 = arith.constant 0 : index
    %get3A_53 = arith.constant 0 : index
    %get3A_54 = vector.load %arg14[%get3A_52, %get3A_53] : memref<64x128xf32, #tpu.memory_space<vmem>>, vector<64x128xf32>
    %reduce_sum3A = arith.constant dense<0.000000e+00> : vector<64xf32>
    %reduce_sum3A_55 = vector.multi_reduction <add>, %convert_element_type3A_43, %reduce_sum3A [1] : vector<64x5000xf32> to vector<64xf32>
    %broadcast_in_dim3A = vector.shape_cast %reduce_sum3A_55 : vector<64xf32> to vector<64x1xf32>
    %broadcast_in_dim3A_56 = vector.shape_cast %broadcast_in_dim3A : vector<64x1xf32> to vector<64x1xf32>
    %broadcast_in_dim3A_57 = vector.broadcast %broadcast_in_dim3A_56 : vector<64x1xf32> to vector<64x128xf32>
    %add3A_58 = arith.addf %get3A_54, %broadcast_in_dim3A_57 : vector<64x128xf32>
    %swap3A_59 = arith.constant 0 : index
    %swap3A_60 = arith.constant 0 : index
    %swap3A_61 = vector.load %arg14[%swap3A_59, %swap3A_60] : memref<64x128xf32, #tpu.memory_space<vmem>>, vector<64x128xf32>
    tpu.vector_store %arg14[%swap3A_59, %swap3A_60], %add3A_58 {strides = array<i32>} : memref<64x128xf32, #tpu.memory_space<vmem>>, vector<64x128xf32>,
    %eq3A_62 = arith.constant 1 : i32
    %eq3A_63 = arith.cmpi eq, %arg0, %eq3A_62 : i32
    %convert_element_type3A_64 = arith.extui %eq3A_63 : i1 to i32
    %cond3A_65 = arith.constant 0 : i32
    %cond3A_66 = arith.cmpi ne, %convert_element_type3A_64, %cond3A_65 : i32
    scf.if %cond3A_66 {
      %get3A_67 = arith.constant 0 : index
      %get3A_68 = arith.constant 0 : index
      %get3A_69 = vector.load %arg13[%get3A_67, %get3A_68] : memref<64x128xf32, #tpu.memory_space<vmem>>, vector<64x128xf32>
      %get3A_70 = arith.constant 0 : index
      %get3A_71 = arith.constant 0 : index
      %get3A_72 = vector.load %arg14[%get3A_70, %get3A_71] : memref<64x128xf32, #tpu.memory_space<vmem>>, vector<64x128xf32>
      %max3A_73 = arith.constant 1.000000e+00 : f32
      %max3A_74 = vector.broadcast %max3A_73 : f32 to vector<64x128xf32>
      %max3A_75 = arith.maximumf %get3A_72, %max3A_74 : vector<64x128xf32>
      %div3A = arith.divf %get3A_69, %max3A_75 : vector<64x128xf32>
      %swap3A_76 = arith.constant 0 : index
      %swap3A_77 = arith.constant 0 : index
      %swap3A_78 = vector.load %arg11[%swap3A_76, %swap3A_77] : memref<64x128xf32, #tpu.memory_space<vmem>>, vector<64x128xf32>
      tpu.vector_store %arg11[%swap3A_76, %swap3A_77], %div3A {strides = array<i32>} : memref<64x128xf32, #tpu.memory_space<vmem>>, vector<64x128xf32>,
      %get3A_79 = arith.constant 0 : index
      %get3A_80 = arith.constant 0 : index
      %get3A_81 = vector.load %arg6[%get3A_79, %get3A_80] : memref<128x128xf32, #tpu.memory_space<vmem>>, vector<128x128xf32>
      %dot_general3A_82 = arith.constant dense<0.000000e+00> : vector<64x128xf32>
      %dot_general3A_83 = tpu.matmul %div3A, %get3A_81, %dot_general3A_82 {dimension_numbers = #tpu.dot_dimension_numbers<[1], [0], [0], [1], [0, 0, 1, 1], [], []>, transpose_lhs_hint = false} : vector<64x128xf32>, vector<128x128xf32>, vector<64x128xf32> -> vector<64x128xf32>
      %get3A_84 = arith.constant 0 : index
      %get3A_85 = arith.constant 0 : index
      %get3A_86 = vector.load %arg7[%get3A_84, %get3A_85] : memref<1x128xf32, #tpu.memory_space<vmem>>, vector<1x128xf32>
      %add3A_87 = vector.broadcast %get3A_86 : vector<1x128xf32> to vector<64x128xf32>
      %add3A_88 = arith.addf %dot_general3A_83, %add3A_87 : vector<64x128xf32>
      %gt3A = arith.constant 0.000000e+00 : f32
      %gt3A_89 = vector.broadcast %gt3A : f32 to vector<64x128xf32>
      %gt3A_90 = arith.cmpf ogt, %add3A_88, %gt3A_89 : vector<64x128xf32>
      %min3A = arith.constant 0.000000e+00 : f32
      %min3A_91 = vector.broadcast %min3A : f32 to vector<64x128xf32>
      %min3A_92 = arith.minimumf %add3A_88, %min3A_91 : vector<64x128xf32>
      %exp3A = math.exp %min3A_92 : vector<64x128xf32>
      %sub3A_93 = arith.constant 1.000000e+00 : f32
      %sub3A_94 = vector.broadcast %sub3A_93 : f32 to vector<64x128xf32>
      %sub3A_95 = arith.subf %exp3A, %sub3A_94 : vector<64x128xf32>
      %select_n3A = arith.select %gt3A_90, %add3A_88, %sub3A_95 : vector<64x128xi1>, vector<64x128xf32>
      %get3A_96 = arith.constant 0 : index
      %get3A_97 = arith.constant 0 : index
      %get3A_98 = vector.load %arg8[%get3A_96, %get3A_97] : memref<128x128xf32, #tpu.memory_space<vmem>>, vector<128x128xf32>
      %dot_general3A_99 = arith.constant dense<0.000000e+00> : vector<64x128xf32>
      %dot_general3A_100 = tpu.matmul %select_n3A, %get3A_98, %dot_general3A_99 {dimension_numbers = #tpu.dot_dimension_numbers<[1], [0], [0], [1], [0, 0, 1, 1], [], []>, transpose_lhs_hint = false} : vector<64x128xf32>, vector<128x128xf32>, vector<64x128xf32> -> vector<64x128xf32>
      %get3A_101 = arith.constant 0 : index
      %get3A_102 = arith.constant 0 : index
      %get3A_103 = vector.load %arg9[%get3A_101, %get3A_102] : memref<1x128xf32, #tpu.memory_space<vmem>>, vector<1x128xf32>
      %add3A_104 = vector.broadcast %get3A_103 : vector<1x128xf32> to vector<64x128xf32>
      %add3A_105 = arith.addf %dot_general3A_100, %add3A_104 : vector<64x128xf32>
      %swap3A_106 = arith.constant 0 : index
      %swap3A_107 = arith.constant 0 : index
      %swap3A_108 = vector.load %arg10[%swap3A_106, %swap3A_107] : memref<64x128xf32, #tpu.memory_space<vmem>>, vector<64x128xf32>
      tpu.vector_store %arg10[%swap3A_106, %swap3A_107], %add3A_105 {strides = array<i32>} : memref<64x128xf32, #tpu.memory_space<vmem>>, vector<64x128xf32>,
    } else {
    }
    return
  }
  func.func @transform_0(%arg0: i32) -> (i32, i32) {
    %c0_i32 = arith.constant 0 : i32
    %c0_i32_0 = arith.constant 0 : i32
    %c0_i32_1 = arith.constant 0 : i32
    return %c0_i32, %c0_i32_0 : i32, i32
  }
  func.func @transform_1(%arg0: i32) -> (i32, i32) {
    %c0_i32 = arith.constant 0 : i32
    %c0_i32_0 = arith.constant 0 : i32
    %c0_i32_1 = arith.constant 0 : i32
    return %c0_i32, %c0_i32_0 : i32, i32
  }
  func.func @transform_2(%arg0: i32) -> (i32, i32) {
    %c0_i32 = arith.constant 0 : i32
    %c0_i32_0 = arith.constant 0 : i32
    %c0_i32_1 = arith.constant 0 : i32
    return %c0_i32, %c0_i32_0 : i32, i32
  }
  func.func @transform_3(%arg0: i32) -> (i32, i32, i32) {
    %c0_i32 = arith.constant 0 : i32
    %c0_i32_0 = arith.constant 0 : i32
    %c0_i32_1 = arith.constant 0 : i32
    return %arg0, %c0_i32, %c0_i32_0 : i32, i32, i32
  }
  func.func @transform_4(%arg0: i32) -> (i32, i32) {
    %c0_i32 = arith.constant 0 : i32
    %c0_i32_0 = arith.constant 0 : i32
    return %arg0, %c0_i32 : i32, i32
  }
  func.func @transform_5(%arg0: i32) -> (i32, i32) {
    %c0_i32 = arith.constant 0 : i32
    %c0_i32_0 = arith.constant 0 : i32
    %c0_i32_1 = arith.constant 0 : i32
    return %c0_i32, %c0_i32_0 : i32, i32
  }
  func.func @transform_6(%arg0: i32) -> (i32, i32) {
    %c0_i32 = arith.constant 0 : i32
    %c0_i32_0 = arith.constant 0 : i32
    %c0_i32_1 = arith.constant 0 : i32
    return %c0_i32, %c0_i32_0 : i32, i32
  }
  func.func @transform_7(%arg0: i32) -> (i32, i32) {
    %c0_i32 = arith.constant 0 : i32
    %c0_i32_0 = arith.constant 0 : i32
    %c0_i32_1 = arith.constant 0 : i32
    return %c0_i32, %c0_i32_0 : i32, i32
  }
  func.func @transform_8(%arg0: i32) -> (i32, i32) {
    %c0_i32 = arith.constant 0 : i32
    %c0_i32_0 = arith.constant 0 : i32
    %c0_i32_1 = arith.constant 0 : i32
    return %c0_i32, %c0_i32_0 : i32, i32
  }
  func.func @transform_9(%arg0: i32) -> (i32, i32) {
    %c0_i32 = arith.constant 0 : i32
    %c0_i32_0 = arith.constant 0 : i32
    %c0_i32_1 = arith.constant 0 : i32
    return %c0_i32, %c0_i32_0 : i32, i32
  }
  func.func @transform_10(%arg0: i32) -> (i32, i32) {
    %c0_i32 = arith.constant 0 : i32
    %c0_i32_0 = arith.constant 0 : i32
    %c0_i32_1 = arith.constant 0 : i32
    return %c0_i32, %c0_i32_0 : i32, i32
  }
  func.func @transform_11(%arg0: i32) -> (i32, i32) {
    %c0_i32 = arith.constant 0 : i32
    %c0_i32_0 = arith.constant 0 : i32
    return %arg0, %c0_i32 : i32, i32
  }
}

</mosaic_0001>

<sc_bundles>
// kernel: kernel.14.cloned.1.call-start
scs
__scs_entry_jumppad:
0x0: {  	(pc) =	sbr.rel $0x88, $3  }
0x1: {  	(tag) =	ssettag $0x0;
	lr =	simm.s32 $0x1  }
0x2: {  	[smem:$0x3F85] =	sst lr;
	_ =	strace $0xD0000000  }
0x3: {  	_ = 	snop  }
0x4: {  	_ = 	snop  }
0x5: {  	_ = 	snop  }
0x6: {  	_ = 	snop  }
0x7: {  	_ = 	snop  }
__scs_overlays_trampoline_lowered:
0x8: {  	[smem:$0x3F94] =	sst s0  }
0x9: {  	[smem:$0x3F95] =	sst s1  }
0xa: {  	[smem:$0x3F96] =	sst s2  }
0xb: {  	[smem:$0x3F97] =	sst s3  }
0xc: {  	[smem:$0x3F98] =	sst s4  }
0xd: {  	[smem:$0x3F99] =	sst s5  }
0xe: {  	[smem:$0x3F9A] =	sst s6  }
0xf: {  	[smem:$0x3F9B] =	sst s7  }
0x10: {  	[smem:$0x3F9C] =	sst s8  }
0x11: {  	[smem:$0x3F9D] =	sst s9;
	s0 =	simm.s32 @!p0 $0x0  }
0x12: {  	s1 =	sld [smem:$0x3F83];
	s0 =	simm.s32 @p0 $0x1  }
0x13: {  	[smem:$0x3F9E] =	sst s0;
	s0 =	simm.s32 @!p1 $0x0  }
0x14: {  	s2 =	sld [smem:$0x3F82];
	s0 =	simm.s32 @p1 $0x1  }
0x15: {  	[smem:$0x3F9F] =	sst s0;
	s0 =	simm.s32 @!p2 $0x0  }
0x16: {  	s3 =	sld [smem:$0x3FDB];
	s0 =	simm.s32 @p2 $0x1  }
0x17: {  	s4 =	simm.s32 $0x1BF5;
	[smem:$0x3FA1] =	sst s0  }
0x18: {  	s0 =	sld [smem:$0x3F84];
	_ =	swait.ge [sflag:s4], $0x0  }
0x19: {  	s7 =	sld [smem:$0x3F85]  }
0x1a: {  	s8 =	sadd.s32 $0xFFFFE003, lr  }
0x1b: {  	s9 =	sadd.s32 $0xFFFFFEF7, lr;
	s5 =	simm.s32 $0xFFFFFFFF;
	p2 =	slt.u32 s8, $0xFFFFF086  }
0x1c: {  	p1 =	slt.u32 s9, $0xF7A;
	s5 =	simm.s32 @!p2 $0x0  }
0x1d: {  	s5 =	simm.s32 @p1 $0x1;
	p0 =	seq.s32 s7, s2  }
0x1e: {  	s7 =	smul.u32 @!p0 $0xF7A, s2;
	p2 =	seq.s32 @!p0 s5, $0x0  }
0x1f: {  	s9 =	smul.u32 $0xF7A, s1;
	s8 =	simm.s32 @!p0 $0x1BF5;
	p2 =	por !p2, p0  }
0x20: {  	[sflag:s8] =	ssyncset.s32 @!p0 $0xFFFFF086;
	s6 =	sadd.s32 @!p0 s3, s7;
	s7 =	simm.s32 @!p0 $0x108  }
0x21: {  	s3 =	sadd.s32 s3, s9;
	s6 =	sadd.s32 @!p0 $0x88, s6;
	s7 =	simm.s32 @p2 $0x1082  }
0x22: {  	[simem:s7], [sflag:s8] =	dma.local @!p0 [hbm:s6], $0xF7A  }
0x23: {  	s9 =	sor.u32 $0xD0000000, s2;
	s6 =	simm.s32 $0x108;
	_ =	swait.ge @!p0 [sflag:s8], $0x0  }
0x24: {  	s3 =	sadd.s32 $0x88, s3;
	s6 =	simm.s32 @!p1 $0x1082;
	[sflag:s4] =	ssyncset.s32 $0xFFFFF086  }
0x25: {  	[simem:s6], [sflag:s4] =	dma.local [hbm:s3], $0xF7A  }
0x26: {  	[smem:$0x3F85] =	sst s1;
	(tag) =	ssettag s2;
	_ =	strace s9  }
0x27: {  	s1 =	sld [smem:$0x3F95]  }
0x28: {  	s2 =	sld [smem:$0x3F96]  }
0x29: {  	s4 =	sld [smem:$0x3F98]  }
0x2a: {  	p0 =	seq.s32 s5, $0x0;
	s5 =	sld [smem:$0x3F99]  }
0x2b: {  	s6 =	sld [smem:$0x3F9A]  }
0x2c: {  	s7 =	sld [smem:$0x3F9B]  }
0x2d: {  	s3 =	simm.s32 $0x108;
	s8 =	sld [smem:$0x3F9C]  }
0x2e: {  	s3 =	simm.s32 @!p0 $0x1082;
	s9 =	sld [smem:$0x3F9D]  }
0x2f: {  	lr =	sadd.s32 s0, s3;
	s0 =	sld [smem:$0x3F94]  }
0x30: {  	s3 =	sld [smem:$0x3F97]  }
0x31: {  	[smem:$0x3FA0] =	sst s10  }
0x32: {  	s10 =	sld [smem:$0x3F9E];
	_ =	sdelay $0x3  }
0x33: {  	p0 =	seq.s32 s10, $0x1;
	s10 =	sld [smem:$0x3FA0];
	_ =	sdelay $0x3  }
0x34: {  	[smem:$0x3FA0] =	sst s10  }
0x35: {  	s10 =	sld [smem:$0x3F9F];
	_ =	sdelay $0x3  }
0x36: {  	p1 =	seq.s32 s10, $0x1;
	s10 =	sld [smem:$0x3FA0];
	_ =	sdelay $0x3  }
0x37: {  	[smem:$0x3FA0] =	sst s10  }
0x38: {  	s10 =	sld [smem:$0x3FA1]  }
0x39: {  	_ = 	snop;
	(pc) =	sbr.ind lr, $3  }
0x3a: {  	_ = 	snop  }
0x3b: {  	_ = 	snop  }
0x3c: {  	p2 =	seq.s32 s10, $0x1;
	s10 =	sld [smem:$0x3FA0]  }
0x3d: {  	_ =	shalt  }
0x3e: {  	_ =	shalt  }
0x3f: {  	_ =	shalt  }
0x40: {  	_ =	shalt  }
0x41: {  	_ =	shalt  }
0x42: {  	_ =	shalt  }
0x43: {  	_ =	shalt  }
0x44: {  	_ =	shalt  }
0x45: {  	_ =	shalt  }
0x46: {  	_ =	shalt  }
0x47: {  	_ =	shalt  }
0x48: {  	_ =	shalt  }
0x49: {  	_ =	shalt  }
0x4a: {  	_ =	shalt  }
0x4b: {  	_ =	shalt  }
0x4c: {  	_ =	shalt  }
0x4d: {  	_ =	shalt  }
0x4e: {  	_ =	shalt  }
0x4f: {  	_ =	shalt  }
0x50: {  	_ =	shalt  }
0x51: {  	_ =	shalt  }
0x52: {  	_ =	shalt  }
0x53: {  	_ =	shalt  }
0x54: {  	_ =	shalt  }
0x55: {  	_ =	shalt  }
0x56: {  	_ =	shalt  }
0x57: {  	_ =	shalt  }
0x58: {  	_ =	shalt  }
0x59: {  	_ =	shalt  }
0x5a: {  	_ =	shalt  }
0x5b: {  	_ =	shalt  }
0x5c: {  	_ =	shalt  }
0x5d: {  	_ =	shalt  }
0x5e: {  	_ =	shalt  }
0x5f: {  	_ =	shalt  }
0x60: {  	_ =	shalt  }
0x61: {  	_ =	shalt  }
0x62: {  	_ =	shalt  }
0x63: {  	_ =	shalt  }
0x64: {  	_ =	shalt  }
0x65: {  	_ =	shalt  }
0x66: {  	_ =	shalt  }
0x67: {  	_ =	shalt  }
0x68: {  	_ =	shalt  }
0x69: {  	_ =	shalt  }
0x6a: {  	_ =	shalt  }
0x6b: {  	_ =	shalt  }
0x6c: {  	_ =	shalt  }
0x6d: {  	_ =	shalt  }
0x6e: {  	_ =	shalt  }
0x6f: {  	_ =	shalt  }
0x70: {  	_ =	shalt  }
0x71: {  	_ =	shalt  }
0x72: {  	_ =	shalt  }
0x73: {  	_ =	shalt  }
0x74: {  	_ =	shalt  }
0x75: {  	_ =	shalt  }
0x76: {  	_ =	shalt  }
0x77: {  	_ =	shalt  }
0x78: {  	_ =	shalt  }
0x79: {  	_ =	shalt  }
0x7a: {  	_ =	shalt  }
0x7b: {  	_ =	shalt  }
0x7c: {  	_ =	shalt  }
0x7d: {  	_ =	shalt  }
0x7e: {  	_ =	shalt  }
0x7f: {  	_ =	shalt  }
0x80: {  	_ =	shalt  }
0x81: {  	_ =	shalt  }
0x82: {  	_ =	shalt  }
0x83: {  	_ =	shalt  }
0x84: {  	_ =	shalt  }
0x85: {  	_ =	shalt  }
0x86: {  	_ =	shalt  }
0x87: {  	_ =	shalt  }
.Lfunc_end0:
.L_simem_size_0:
called_computation_lowered:
.L_overlay_start_0:
0x88: {  	s2 =	sld [smem:$0x3FD9]  }
0x89: {  	s3 =	sld [smem:$0x3FFE];
	_ =	sdelay $0x1  }
0x8a: {  	s1 =	srdreg.scid  }
0x8b: {  	s0 =	sand.u32 $0x1, s1  }
0x8c: {  	s17 =	sshll.u32 s0, $0xA;
	s2 =	sadd.s32 s3, s2  }
0x8d: {  	s2 =	sadd.s32 s2, s17  }
0x8e: {  	[smem:$0x3FAC] =	sst s2  }
0x8f: {  	_ = 	snop  }
0x90: {  	s2 =	sld [smem:$0x3FC9];
	(tm) =	ssettm $0x1  }
0x91: {  	s18 =	sld [smem:$0x3FFB];
	_ =	sdelay $0x3  }
0x92: {  	_ =	strace s18  }
0x93: {  	s3 =	sld [smem:$0x3FFC];
	_ =	sdelay $0x3  }
0x94: {  	_ =	strace s3  }
0x95: {  	s3 =	sld [smem:$0x3FFD];
	_ =	sdelay $0x3  }
0x96: {  	_ =	strace s3  }
0x97: {  	_ =	strace $0x8FFFFFFF  }
0x98: {  	s19 =	sld [smem:$0x3FDB];
	_ =	sdelay $0x1  }
0x99: {  	s4 =	simm.s32 $_scs_section_size  }
0x9a: {  	s5 =	simm.s32 $_size__tile_overlayer_lowered;
	s6 =	simm.s32 $_tile_overlayer_lowered  }
0x9b: {  	s22 =	simm.s32 $0x1BFF;
	s21 =	sshll.u32 s6, $0x1;
	s3 =	sadd.s32 s4, s19  }
0x9c: {  	s7 =	simm.s32 $0x0;
	s20 =	sshll.u32 s5, $0x1;
	s5 =	sadd.s32 s21, s3  }
0x9d: {  	[timem:s7], [sflag:s22] =	dma.local [hbm:s5], s20  }
0x9e: {  	_ =	swait.ge [sflag:s22], s20  }
0x9f: {  	s4 =	ssub.s32 $0x0, s20;
	[sflag:s22] =	ssyncset.done $0x0  }
0xa0: {  	[sflag:s22] =	ssyncadd.s32 s4;
	_ =	sdelay $0x1  }
0xa1: {  	s23 =	simm.s32 $0x1B8B  }
0xa2: {  	_ =	swait.ge [sflag:s23], $0x1  }
0xa3: {  	[sflag:s23] =	ssyncset.done $0x0  }
0xa4: {  	s25 =	simm.s32 $0x1B8E;
	s24 =	sld [smem:$0x3FFE];
	[sflag:s23] =	ssyncadd.s32 $0xFFFFFFFF  }
0xa5: {  	s26 =	simm.s32 $execute0_lowered;
	[smem:$0x3FD2] =	sst s25  }
0xa6: {  	s5 =	sshll.u32 s26, $0x1;
	_ =	strace $0x80000046;
	[dreg:$0x1] =	wrdreg $0xFFFFFFFF  }
0xa7: {  	s28 =	simm.s32 $_size_execute0_lowered;
	s3 =	sadd.s32 s3, s5;
	[dreg:$0x0] =	wrdreg $0x0  }
0xa8: {  	s5 =	sshll.u32 s28, $0x1;
	[dreg:$0x2] =	wrdreg s3  }
0xa9: {  	[dreg:$0x3] =	wrdreg s5  }
0xaa: {  	[dreg:$0x4] =	wrdreg $0xC0  }
0xab: {  	_ =	task [dreg:s7], $0x5FFFF  }
0xac: {  	[dreg:$0x1] =	wrdreg $0xFFFFFFFF  }
0xad: {  	[dreg:$0x0] =	wrdreg $0x60  }
0xae: {  	[dreg:$0x2] =	wrdreg s2  }
0xaf: {  	[dreg:$0x3] =	wrdreg s24  }
0xb0: {  	[dreg:$0x4] =	wrdreg $0x90000  }
0xb1: {  	[dreg:$0x5] =	wrdreg $0x9  }
0xb2: {  	_ =	task.clear_ibuf [dreg:s7], $0x6FFFF;
	_ =	strace $0x90000046  }
0xb3: {  	s29 =	simm.s32 $0x9;
	_ =	strace $0x80000048  }
0xb4: {  	_ =	swait.ge [sflag:s29], $0x1  }
0xb5: {  	[sflag:s29] =	ssyncadd.s32 $0xFFFFFFFF  }
0xb6: {  	_ =	strace $0x90000048  }
0xb7: {  	_ =	sfence  }
0xb8: {  	s30 =	sld [smem:$0x0];
	_ =	sdelay $0x2  }
0xb9: {  	s31 =	sshll.u32 s1, $0xD;
	s1 =	sshrl.u32 s1, $0x2  }
0xba: {  	s3 =	sand.u32 $0x4000, s31;
	s1 =	sadd.s32 s1, s30  }
0xbb: {  	s0 =	sor.u32 s3, s0;
	s1 =	sshll.u32 s1, $0x11  }
0xbc: {  	s0 =	sor.u32 s1, s0  }
0xbd: {  	s0 =	sadd.s32 $0x8F2B, s0  }
0xbe: {  	[sflag:s0] =	ssyncadd.remote.s32 $0x1  }
0xbf: {  	_ =	sfence.sel $0xFFFF  }
0xc0: {  	[dreg:$0x0] =	wrdreg $0xFFFFFFFF;
	(pc) =	sbr.abs _section_cstart, $3  }
0xc1: {  	[dreg:$0x1] =	wrdreg $0xFFFFFFFF  }
0xc2: {  	_ =	task.clear_ibuf [dreg:s7], $0x2FFFF;
	_ =	strace $0x9FFFFFFF  }
0xc3: {  	(tm) =	ssettm $0x7FFFFFFF  }
tec
execute0_lowered:
.L_overlay_start_1:
0x0: {  	(tag) =	ssettag $0x1  }
0x1: {  	s0 =	rddreg [dreg:$0x0]  }
0x2: {  	s1 =	srdreg.scid;
	s6 =	rddreg [dreg:$0x1]  }
0x3: {  	s3 =	rddreg [dreg:$0x2];
	s2 =	stileid.u32  }
0x4: {  	s4 =	simm.s32 $0x0;
	s13 =	simm.s32 $0x80;
	s14 =	simm.s32 $0x5000  }
0x5: {  	s5 =	sand.u32 $0x1, s1;
	s1 =	rddreg [dreg:$0x3];
	s10 =	smul.u32 $0x4F000, s2  }
0x6: {  	s15 =	simm.s32 $0x1;
	[smem:$0x7FF] =	sst s4;
	s17 =	smul.u32 $0x2780, s2  }
0x7: {  	s11 =	sshll.u32 s2, $0x6;
	s7 =	sshll.u32 s5, $0x4;
	_ =	strace $0x80000047  }
0x8: {  	s8 =	smul.u32 $0x27800, s5;
	s9 =	ssub.s32 $0x2, s5;
	s5 =	sadd.s32 $0x19000, s6  }
0x9: {  	s11 =	sor.u32 $0x1C02, s11;
	s7 =	sor.u32 s2, s7;
	s31 =	sshrl.u32 s9, $0x1  }
0xa: {  	s10 =	sshrl.u32 s10, $0x2;
	s7 =	smul.u32 $0x500, s7;
	s8 =	sadd.s32 s8, s6  }
0xb: {  	s9 =	ssub.s32 s9, s31;
	s12 =	sadd.s32 s10, s3;
	s10 =	simm.s32 $0x2800  }
0xc: {  	s16 =	sadd.s32 $0x1B800, s8;
	s8 =	smax.u32 s9, $0x1;
	s9 =	simm.s32 $0x2  }
0xd: {  	s12 =	sshrl.u32 s12, $0x3;
	s7 =	sadd.s32 s7, s6;
	s16 =	sadd.s32 s17, s16  }
0xe: {  	s17 =	simm.s32 $0x0;
	s6 =	sadd.s32 $0x5000, s7;
	s7 =	sadd.s32 $0xF000, s7  }
.LBB2_1:
0xf: {  	[tilespmem:s4], [sflag:$0x2] =	stream.linear.gather [hbm4b:s6+s4], $0x2780, $0x38;
	[tilespmem:$0x1CC00] =	vst v63  }
0x10: {  	_ =	swait.ge [sflag:s9], $0x2780  }
0x11: {  	[sflag:s9] =	ssyncset.done $0x0  }
0x12: {  	[sflag:s9] =	ssyncadd.s32 $0xFFFFD880  }
0x13: {  	[tilespmem:s10], [sflag:$0x2] =	stream.linear.gather [hbm4b:s7+s4], $0x2780, $0x38;
	[tilespmem:$0x1CC00] =	vst v63  }
0x14: {  	_ =	swait.ge [sflag:s9], $0x2780  }
0x15: {  	[sflag:s9] =	ssyncset.done $0x0  }
0x16: {  	[sflag:s9] =	ssyncadd.s32 $0xFFFFD880  }
0x17: {  	[spmem:s12], [sflag:s11] =	dma.local [hbm:s5], $0x2780  }
0x18: {  	_ =	swait.ge [sflag:s9], $0x2780  }
0x19: {  	[sflag:s9] =	ssyncset.done $0x0  }
0x1a: {  	[sflag:s9] =	ssyncadd.s32 $0xFFFFD880  }
0x1b: {  	s18 =	simm.s32 $0x0;
	[bflag:$0x0] =	sbarrier.arrive $0xFFFF  }
0x1c: {  	[tilespmem:s14], [sflag:$0x1] =	stream.indirect.gather [hbm4b:s0+s13], $0x80, s18, s13, $0xb8;
	[tilespmem:$0x1CC00] =	vst v63  }
0x1d: {  	_ =	swait.ge [sflag:s15], $0x4000  }
0x1e: {  	[sflag:s15] =	ssyncset.done $0x0  }
0x1f: {  	s31 =	simm.s32 $0x2800;
	[sflag:s15] =	ssyncadd.s32 $0xFFFFC000  }
0x20: {  	[spmem:s3] =	stream.indirect.scatter.add.f32 [tilespmem:s14], [sflag:$0x2], $0x80, s31, s13, $0xb8;
	[tilespmem:$0x1CC00] =	vst v63  }
0x21: {  	_ =	swait.ge [sflag:s9], $0x4000  }
0x22: {  	s19 =	simm.s32 $0x400;
	s18 =	simm.s32 $0x200;
	[sflag:s9] =	ssyncset.done $0x0  }
.LBB2_2:
0x23: {  	s20 =	sshra.s32 s18, $0x2  }
0x24: {  	[sflag:s9] =	ssyncadd.s32 $0xFFFFC000;
	s18 =	smov.u32 s19;
	s21 =	sadd.s32 $0x200, s19  }
0x25: {  	[tilespmem:s14], [sflag:$0x1] =	stream.indirect.gather [hbm4b:s0+s13], $0x80, s20, s13, $0xb8;
	[tilespmem:$0x1CC00] =	vst v63  }
0x26: {  	p0 =	sne.s32 s19, $0x9C00;
	_ =	swait.ge [sflag:s15], $0x4000  }
.Ltmp0:
0x27: {  	[sflag:s15] =	ssyncset.done $0x0;
	(pc) =	sbr.rel @p0 .LBB2_2-.Ltmp0, $4  }
0x28: {  	s19 =	sadd.s32 $0x2800, s20;
	[sflag:s15] =	ssyncadd.s32 $0xFFFFC000  }
0x29: {  	[spmem:s3] =	stream.indirect.scatter.add.f32 [tilespmem:s14], [sflag:$0x2], $0x80, s19, s13, $0xb8;
	[tilespmem:$0x1CC00] =	vst v63  }
0x2a: {  	_ =	swait.ge [sflag:s9], $0x4000  }
0x2b: {  	s19 =	smov.u32 s21;
	[sflag:s9] =	ssyncset.done $0x0  }
0x2c: {  	s18 =	sshra.s32 s18, $0x2;
	[sflag:s9] =	ssyncadd.s32 $0xFFFFC000  }
0x2d: {  	[tilespmem:s14], [sflag:$0x1] =	stream.indirect.gather [hbm4b:s0+s13], $0x80, s18, s13, $0xb8;
	[tilespmem:$0x1CC00] =	vst v63  }
0x2e: {  	_ =	swait.ge [sflag:s15], $0x4000  }
0x2f: {  	[sflag:s15] =	ssyncset.done $0x0  }
0x30: {  	s18 =	sadd.s32 $0x2800, s18;
	[sflag:s15] =	ssyncadd.s32 $0xFFFFC000  }
0x31: {  	[spmem:s3] =	stream.indirect.scatter.add.f32 [tilespmem:s14], [sflag:$0x2], $0x80, s18, s13, $0xb8;
	[tilespmem:$0x1CC00] =	vst v63  }
0x32: {  	_ =	swait.ge [sflag:s9], $0x4000  }
0x33: {  	s17 =	sadd.s32 $0x1, s17;
	[sflag:s9] =	ssyncset.done $0x0  }
0x34: {  	p0 =	sne.s32 s17, s8;
	[sflag:s9] =	ssyncadd.s32 $0xFFFFC000  }
.Ltmp1:
0x35: {  	[bflag:$0x0] =	sbarrier.arrive $0xFFFF;
	(pc) =	sbr.rel @p0 .LBB2_1-.Ltmp1, $4  }
0x36: {  	[hbm:s16], [sflag:s11] =	dma.local [spmem:s12], $0x2780  }
0x37: {  	_ =	swait.ge [sflag:s9], $0x2780  }
0x38: {  	[sflag:s9] =	ssyncset.done $0x0  }
0x39: {  	[sflag:s9] =	ssyncadd.s32 $0xFFFFD880  }
0x3a: {  	_ =	sfence.sel $0x180000  }
0x3b: {  	[bflag:$0x0] =	sbarrier.arrive $0xFFFF  }
0x3c: {  	p0 =	sne.s32 s2, $0x0;
	_ =	strace $0x90000047  }
0x3d: {  	s0 =	sadd.s32 @!p0 $0x100000, s1;
	[bflag:$0x2] =	sbarrier.arrive $0xFFFF  }
0x3e: {  	[sflag:s0] =	ssyncadd.tile.s32 @!p0 $0x1;
	_ =	shalt  }
.Lfunc_end2:
_tile_overlayer_lowered:
.L_overlay_start_2:
0x3f: {  	(tag) =	ssettag $0x2  }
0x40: {  	s0 =	rddreg [dreg:$0x0];
	s2 =	stileid.u32  }
0x41: {  	s1 =	rddreg [dreg:$0x1];
	p0 =	sne.s32 s2, $0x0  }
0x42: {  	s3 =	rddreg [dreg:$0x2];
	[bflag:$0x3] =	sbarrier.arrive $0xFFFF;
	s2 =	simm.s32 @!p0 $0x1C02  }
0x43: {  	[timem:s3], [sflag:s2] =	dma.local @!p0 [hbm:s0], s1  }
0x44: {  	s0 =	simm.s32 @!p0 $0x2  }
0x45: {  	_ =	swait.ge @!p0 [sflag:s0], s1  }
0x46: {  	s1 =	ssub.s32 @!p0 $0x0, s1;
	[sflag:s0] =	ssyncset.done @!p0 $0x0  }
0x47: {  	[sflag:s0] =	ssyncadd.s32 @!p0 s1  }
0x48: {  	[bflag:$0x3] =	sbarrier.arrive $0xFFFF  }
0x49: {  	_ =	shalt  }

// kernel: kernel.17.cloned.1.call-start
scs
__scs_entry_jumppad:
0x0: {  	(pc) =	sbr.rel $0x88, $3  }
0x1: {  	(tag) =	ssettag $0x0;
	lr =	simm.s32 $0x1  }
0x2: {  	[smem:$0x3F85] =	sst lr;
	_ =	strace $0xD0000000  }
0x3: {  	_ = 	snop  }
0x4: {  	_ = 	snop  }
0x5: {  	_ = 	snop  }
0x6: {  	_ = 	snop  }
0x7: {  	_ = 	snop  }
__scs_overlays_trampoline_lowered:
0x8: {  	[smem:$0x3F94] =	sst s0  }
0x9: {  	[smem:$0x3F95] =	sst s1  }
0xa: {  	[smem:$0x3F96] =	sst s2  }
0xb: {  	[smem:$0x3F97] =	sst s3  }
0xc: {  	[smem:$0x3F98] =	sst s4  }
0xd: {  	[smem:$0x3F99] =	sst s5  }
0xe: {  	[smem:$0x3F9A] =	sst s6  }
0xf: {  	[smem:$0x3F9B] =	sst s7  }
0x10: {  	[smem:$0x3F9C] =	sst s8  }
0x11: {  	[smem:$0x3F9D] =	sst s9;
	s0 =	simm.s32 @!p0 $0x0  }
0x12: {  	s1 =	sld [smem:$0x3F83];
	s0 =	simm.s32 @p0 $0x1  }
0x13: {  	[smem:$0x3F9E] =	sst s0;
	s0 =	simm.s32 @!p1 $0x0  }
0x14: {  	s2 =	sld [smem:$0x3F82];
	s0 =	simm.s32 @p1 $0x1  }
0x15: {  	[smem:$0x3F9F] =	sst s0;
	s0 =	simm.s32 @!p2 $0x0  }
0x16: {  	s3 =	sld [smem:$0x3FDB];
	s0 =	simm.s32 @p2 $0x1  }
0x17: {  	s4 =	simm.s32 $0x1BF5;
	[smem:$0x3FA1] =	sst s0  }
0x18: {  	s0 =	sld [smem:$0x3F84];
	_ =	swait.ge [sflag:s4], $0x0  }
0x19: {  	s7 =	sld [smem:$0x3F85]  }
0x1a: {  	s8 =	sadd.s32 $0xFFFFE003, lr  }
0x1b: {  	s9 =	sadd.s32 $0xFFFFFEF7, lr;
	s5 =	simm.s32 $0xFFFFFFFF;
	p2 =	slt.u32 s8, $0xFFFFF086  }
0x1c: {  	p1 =	slt.u32 s9, $0xF7A;
	s5 =	simm.s32 @!p2 $0x0  }
0x1d: {  	s5 =	simm.s32 @p1 $0x1;
	p0 =	seq.s32 s7, s2  }
0x1e: {  	s7 =	smul.u32 @!p0 $0xF7A, s2;
	p2 =	seq.s32 @!p0 s5, $0x0  }
0x1f: {  	s9 =	smul.u32 $0xF7A, s1;
	s8 =	simm.s32 @!p0 $0x1BF5;
	p2 =	por !p2, p0  }
0x20: {  	[sflag:s8] =	ssyncset.s32 @!p0 $0xFFFFF086;
	s6 =	sadd.s32 @!p0 s3, s7;
	s7 =	simm.s32 @!p0 $0x108  }
0x21: {  	s3 =	sadd.s32 s3, s9;
	s6 =	sadd.s32 @!p0 $0x88, s6;
	s7 =	simm.s32 @p2 $0x1082  }
0x22: {  	[simem:s7], [sflag:s8] =	dma.local @!p0 [hbm:s6], $0xF7A  }
0x23: {  	s9 =	sor.u32 $0xD0000000, s2;
	s6 =	simm.s32 $0x108;
	_ =	swait.ge @!p0 [sflag:s8], $0x0  }
0x24: {  	s3 =	sadd.s32 $0x88, s3;
	s6 =	simm.s32 @!p1 $0x1082;
	[sflag:s4] =	ssyncset.s32 $0xFFFFF086  }
0x25: {  	[simem:s6], [sflag:s4] =	dma.local [hbm:s3], $0xF7A  }
0x26: {  	[smem:$0x3F85] =	sst s1;
	(tag) =	ssettag s2;
	_ =	strace s9  }
0x27: {  	s1 =	sld [smem:$0x3F95]  }
0x28: {  	s2 =	sld [smem:$0x3F96]  }
0x29: {  	s4 =	sld [smem:$0x3F98]  }
0x2a: {  	p0 =	seq.s32 s5, $0x0;
	s5 =	sld [smem:$0x3F99]  }
0x2b: {  	s6 =	sld [smem:$0x3F9A]  }
0x2c: {  	s7 =	sld [smem:$0x3F9B]  }
0x2d: {  	s3 =	simm.s32 $0x108;
	s8 =	sld [smem:$0x3F9C]  }
0x2e: {  	s3 =	simm.s32 @!p0 $0x1082;
	s9 =	sld [smem:$0x3F9D]  }
0x2f: {  	lr =	sadd.s32 s0, s3;
	s0 =	sld [smem:$0x3F94]  }
0x30: {  	s3 =	sld [smem:$0x3F97]  }
0x31: {  	[smem:$0x3FA0] =	sst s10  }
0x32: {  	s10 =	sld [smem:$0x3F9E];
	_ =	sdelay $0x3  }
0x33: {  	p0 =	seq.s32 s10, $0x1;
	s10 =	sld [smem:$0x3FA0];
	_ =	sdelay $0x3  }
0x34: {  	[smem:$0x3FA0] =	sst s10  }
0x35: {  	s10 =	sld [smem:$0x3F9F];
	_ =	sdelay $0x3  }
0x36: {  	p1 =	seq.s32 s10, $0x1;
	s10 =	sld [smem:$0x3FA0];
	_ =	sdelay $0x3  }
0x37: {  	[smem:$0x3FA0] =	sst s10  }
0x38: {  	s10 =	sld [smem:$0x3FA1]  }
0x39: {  	_ = 	snop;
	(pc) =	sbr.ind lr, $3  }
0x3a: {  	_ = 	snop  }
0x3b: {  	_ = 	snop  }
0x3c: {  	p2 =	seq.s32 s10, $0x1;
	s10 =	sld [smem:$0x3FA0]  }
0x3d: {  	_ =	shalt  }
0x3e: {  	_ =	shalt  }
0x3f: {  	_ =	shalt  }
0x40: {  	_ =	shalt  }
0x41: {  	_ =	shalt  }
0x42: {  	_ =	shalt  }
0x43: {  	_ =	shalt  }
0x44: {  	_ =	shalt  }
0x45: {  	_ =	shalt  }
0x46: {  	_ =	shalt  }
0x47: {  	_ =	shalt  }
0x48: {  	_ =	shalt  }
0x49: {  	_ =	shalt  }
0x4a: {  	_ =	shalt  }
0x4b: {  	_ =	shalt  }
0x4c: {  	_ =	shalt  }
0x4d: {  	_ =	shalt  }
0x4e: {  	_ =	shalt  }
0x4f: {  	_ =	shalt  }
0x50: {  	_ =	shalt  }
0x51: {  	_ =	shalt  }
0x52: {  	_ =	shalt  }
0x53: {  	_ =	shalt  }
0x54: {  	_ =	shalt  }
0x55: {  	_ =	shalt  }
0x56: {  	_ =	shalt  }
0x57: {  	_ =	shalt  }
0x58: {  	_ =	shalt  }
0x59: {  	_ =	shalt  }
0x5a: {  	_ =	shalt  }
0x5b: {  	_ =	shalt  }
0x5c: {  	_ =	shalt  }
0x5d: {  	_ =	shalt  }
0x5e: {  	_ =	shalt  }
0x5f: {  	_ =	shalt  }
0x60: {  	_ =	shalt  }
0x61: {  	_ =	shalt  }
0x62: {  	_ =	shalt  }
0x63: {  	_ =	shalt  }
0x64: {  	_ =	shalt  }
0x65: {  	_ =	shalt  }
0x66: {  	_ =	shalt  }
0x67: {  	_ =	shalt  }
0x68: {  	_ =	shalt  }
0x69: {  	_ =	shalt  }
0x6a: {  	_ =	shalt  }
0x6b: {  	_ =	shalt  }
0x6c: {  	_ =	shalt  }
0x6d: {  	_ =	shalt  }
0x6e: {  	_ =	shalt  }
0x6f: {  	_ =	shalt  }
0x70: {  	_ =	shalt  }
0x71: {  	_ =	shalt  }
0x72: {  	_ =	shalt  }
0x73: {  	_ =	shalt  }
0x74: {  	_ =	shalt  }
0x75: {  	_ =	shalt  }
0x76: {  	_ =	shalt  }
0x77: {  	_ =	shalt  }
0x78: {  	_ =	shalt  }
0x79: {  	_ =	shalt  }
0x7a: {  	_ =	shalt  }
0x7b: {  	_ =	shalt  }
0x7c: {  	_ =	shalt  }
0x7d: {  	_ =	shalt  }
0x7e: {  	_ =	shalt  }
0x7f: {  	_ =	shalt  }
0x80: {  	_ =	shalt  }
0x81: {  	_ =	shalt  }
0x82: {  	_ =	shalt  }
0x83: {  	_ =	shalt  }
0x84: {  	_ =	shalt  }
0x85: {  	_ =	shalt  }
0x86: {  	_ =	shalt  }
0x87: {  	_ =	shalt  }
.Lfunc_end0:
.L_simem_size_0:
called_computation.1_lowered:
.L_overlay_start_0:
0x88: {  	s2 =	sld [smem:$0x3FD9]  }
0x89: {  	s3 =	sld [smem:$0x3FFE];
	_ =	sdelay $0x1  }
0x8a: {  	s1 =	srdreg.scid  }
0x8b: {  	s0 =	sand.u32 $0x1, s1  }
0x8c: {  	s14 =	sshll.u32 s0, $0xA;
	s2 =	sadd.s32 s3, s2  }
0x8d: {  	s2 =	sadd.s32 s2, s14  }
0x8e: {  	[smem:$0x3FAC] =	sst s2  }
0x8f: {  	_ = 	snop  }
0x90: {  	s2 =	sld [smem:$0x3FD0];
	_ =	sdelay $0x2  }
0x91: {  	s15 =	simm.s32 $0xA;
	s4 =	simm.s32 $0x10  }
0x92: {  	[smem:s4], [sflag:s15] =	dma.local [hbm:s2], $0x1  }
0x93: {  	_ =	swait.eq [sflag:s15], $0x1  }
0x94: {  	[sflag:s15] =	ssyncset.done $0x0  }
0x95: {  	[sflag:s15] =	ssyncadd.s32 $0xFFFFFFFF  }
0x96: {  	s16 =	sld [smem:$0x12];
	(tm) =	ssettm $0x1  }
0x97: {  	s17 =	sld [smem:$0x3FFB];
	_ =	sdelay $0x3  }
0x98: {  	_ =	strace s17  }
0x99: {  	s3 =	sld [smem:$0x3FFC];
	_ =	sdelay $0x3  }
0x9a: {  	_ =	strace s3  }
0x9b: {  	s3 =	sld [smem:$0x3FFD];
	_ =	sdelay $0x3  }
0x9c: {  	_ =	strace s3  }
0x9d: {  	_ =	strace $0x8FFFFFFF  }
0x9e: {  	s18 =	sld [smem:$0x3FDB];
	_ =	sdelay $0x1  }
0x9f: {  	s19 =	simm.s32 $_scs_section_size  }
0xa0: {  	s5 =	simm.s32 $_size__tile_overlayer_lowered;
	s6 =	simm.s32 $_tile_overlayer_lowered  }
0xa1: {  	s22 =	simm.s32 $0x1BFF;
	s21 =	sshll.u32 s6, $0x1;
	s3 =	sadd.s32 s19, s18  }
0xa2: {  	s7 =	simm.s32 $0x0;
	s20 =	sshll.u32 s5, $0x1;
	s5 =	sadd.s32 s21, s3  }
0xa3: {  	[timem:s7], [sflag:s22] =	dma.local [hbm:s5], s20  }
0xa4: {  	_ =	swait.ge [sflag:s22], s20  }
0xa5: {  	s4 =	ssub.s32 $0x0, s20;
	[sflag:s22] =	ssyncset.done $0x0  }
0xa6: {  	[sflag:s22] =	ssyncadd.s32 s4;
	_ =	sdelay $0x1  }
0xa7: {  	s23 =	simm.s32 $0x1B8B  }
0xa8: {  	_ =	swait.ge [sflag:s23], $0x1  }
0xa9: {  	[sflag:s23] =	ssyncset.done $0x0  }
0xaa: {  	s25 =	simm.s32 $0x1B8E;
	s24 =	sld [smem:$0x3FFE];
	[sflag:s23] =	ssyncadd.s32 $0xFFFFFFFF  }
0xab: {  	s26 =	simm.s32 $execute0_lowered;
	[smem:$0x3FD2] =	sst s25  }
0xac: {  	s5 =	sshll.u32 s26, $0x1;
	_ =	strace $0x80000049;
	[dreg:$0x1] =	wrdreg $0xFFFFFFFF  }
0xad: {  	s28 =	simm.s32 $_size_execute0_lowered;
	s3 =	sadd.s32 s3, s5;
	[dreg:$0x0] =	wrdreg $0x0  }
0xae: {  	s5 =	sshll.u32 s28, $0x1;
	[dreg:$0x2] =	wrdreg s3  }
0xaf: {  	[dreg:$0x3] =	wrdreg s5  }
0xb0: {  	[dreg:$0x4] =	wrdreg $0xC0  }
0xb1: {  	_ =	task [dreg:s7], $0x5FFFF  }
0xb2: {  	[dreg:$0x1] =	wrdreg $0xFFFFFFFF  }
0xb3: {  	[dreg:$0x0] =	wrdreg $0x60  }
0xb4: {  	[dreg:$0x2] =	wrdreg s16  }
0xb5: {  	[dreg:$0x3] =	wrdreg s24  }
0xb6: {  	[dreg:$0x4] =	wrdreg $0x90000  }
0xb7: {  	[dreg:$0x5] =	wrdreg $0x9  }
0xb8: {  	_ =	task.clear_ibuf [dreg:s7], $0x6FFFF;
	_ =	strace $0x90000049  }
0xb9: {  	s29 =	simm.s32 $0x9;
	_ =	strace $0x8000004B  }
0xba: {  	_ =	swait.ge [sflag:s29], $0x1  }
0xbb: {  	[sflag:s29] =	ssyncadd.s32 $0xFFFFFFFF  }
0xbc: {  	_ =	strace $0x9000004B  }
0xbd: {  	_ =	sfence  }
0xbe: {  	s30 =	sld [smem:$0x0];
	_ =	sdelay $0x2  }
0xbf: {  	s31 =	sshll.u32 s1, $0xD;
	s1 =	sshrl.u32 s1, $0x2  }
0xc0: {  	s3 =	sand.u32 $0x4000, s31;
	s1 =	sadd.s32 s1, s30  }
0xc1: {  	s0 =	sor.u32 s3, s0;
	s1 =	sshll.u32 s1, $0x11  }
0xc2: {  	s0 =	sor.u32 s1, s0  }
0xc3: {  	s0 =	sadd.s32 $0x8F2B, s0  }
0xc4: {  	[sflag:s0] =	ssyncadd.remote.s32 $0x1  }
0xc5: {  	_ =	sfence.sel $0xFFFF  }
0xc6: {  	[dreg:$0x0] =	wrdreg $0xFFFFFFFF;
	(pc) =	sbr.abs _section_cstart, $3  }
0xc7: {  	[dreg:$0x1] =	wrdreg $0xFFFFFFFF  }
0xc8: {  	_ =	task.clear_ibuf [dreg:s7], $0x2FFFF;
	_ =	strace $0x9FFFFFFF  }
0xc9: {  	(tm) =	ssettm $0x7FFFFFFF  }
tec
execute0_lowered:
.L_overlay_start_1:
0x0: {  	(tag) =	ssettag $0x1  }
0x1: {  	s0 =	rddreg [dreg:$0x0]  }
0x2: {  	s1 =	srdreg.scid;
	s6 =	rddreg [dreg:$0x1]  }
0x3: {  	s3 =	rddreg [dreg:$0x2];
	s2 =	stileid.u32  }
0x4: {  	s4 =	simm.s32 $0x0;
	s13 =	simm.s32 $0x80;
	s14 =	simm.s32 $0x5000  }
0x5: {  	s5 =	sand.u32 $0x1, s1;
	s1 =	rddreg [dreg:$0x3];
	s10 =	smul.u32 $0x4F000, s2  }
0x6: {  	s15 =	simm.s32 $0x1;
	[smem:$0x7FF] =	sst s4;
	s17 =	smul.u32 $0x2780, s2  }
0x7: {  	s11 =	sshll.u32 s2, $0x6;
	s7 =	sshll.u32 s5, $0x4;
	_ =	strace $0x8000004A  }
0x8: {  	s8 =	smul.u32 $0x27800, s5;
	s9 =	ssub.s32 $0x2, s5;
	s5 =	sadd.s32 $0x19000, s6  }
0x9: {  	s11 =	sor.u32 $0x1C02, s11;
	s7 =	sor.u32 s2, s7;
	s31 =	sshrl.u32 s9, $0x1  }
0xa: {  	s10 =	sshrl.u32 s10, $0x2;
	s7 =	smul.u32 $0x500, s7;
	s8 =	sadd.s32 s8, s6  }
0xb: {  	s9 =	ssub.s32 s9, s31;
	s12 =	sadd.s32 s10, s3;
	s10 =	simm.s32 $0x2800  }
0xc: {  	s16 =	sadd.s32 $0x1B800, s8;
	s8 =	smax.u32 s9, $0x1;
	s9 =	simm.s32 $0x2  }
0xd: {  	s12 =	sshrl.u32 s12, $0x3;
	s7 =	sadd.s32 s7, s6;
	s16 =	sadd.s32 s17, s16  }
0xe: {  	s17 =	simm.s32 $0x0;
	s6 =	sadd.s32 $0x5000, s7;
	s7 =	sadd.s32 $0xF000, s7  }
.LBB2_1:
0xf: {  	[tilespmem:s4], [sflag:$0x2] =	stream.linear.gather [hbm4b:s6+s4], $0x2780, $0x38;
	[tilespmem:$0x1CC00] =	vst v63  }
0x10: {  	_ =	swait.ge [sflag:s9], $0x2780  }
0x11: {  	[sflag:s9] =	ssyncset.done $0x0  }
0x12: {  	[sflag:s9] =	ssyncadd.s32 $0xFFFFD880  }
0x13: {  	[tilespmem:s10], [sflag:$0x2] =	stream.linear.gather [hbm4b:s7+s4], $0x2780, $0x38;
	[tilespmem:$0x1CC00] =	vst v63  }
0x14: {  	_ =	swait.ge [sflag:s9], $0x2780  }
0x15: {  	[sflag:s9] =	ssyncset.done $0x0  }
0x16: {  	[sflag:s9] =	ssyncadd.s32 $0xFFFFD880  }
0x17: {  	[spmem:s12], [sflag:s11] =	dma.local [hbm:s5], $0x2780  }
0x18: {  	_ =	swait.ge [sflag:s9], $0x2780  }
0x19: {  	[sflag:s9] =	ssyncset.done $0x0  }
0x1a: {  	[sflag:s9] =	ssyncadd.s32 $0xFFFFD880  }
0x1b: {  	s18 =	simm.s32 $0x0;
	[bflag:$0x0] =	sbarrier.arrive $0xFFFF  }
0x1c: {  	[tilespmem:s14], [sflag:$0x1] =	stream.indirect.gather [hbm4b:s0+s13], $0x80, s18, s13, $0xb8;
	[tilespmem:$0x1CC00] =	vst v63  }
0x1d: {  	_ =	swait.ge [sflag:s15], $0x4000  }
0x1e: {  	[sflag:s15] =	ssyncset.done $0x0  }
0x1f: {  	s31 =	simm.s32 $0x2800;
	[sflag:s15] =	ssyncadd.s32 $0xFFFFC000  }
0x20: {  	[spmem:s3] =	stream.indirect.scatter.add.f32 [tilespmem:s14], [sflag:$0x2], $0x80, s31, s13, $0xb8;
	[tilespmem:$0x1CC00] =	vst v63  }
0x21: {  	_ =	swait.ge [sflag:s9], $0x4000  }
0x22: {  	s19 =	simm.s32 $0x400;
	s18 =	simm.s32 $0x200;
	[sflag:s9] =	ssyncset.done $0x0  }
.LBB2_2:
0x23: {  	s20 =	sshra.s32 s18, $0x2  }
0x24: {  	[sflag:s9] =	ssyncadd.s32 $0xFFFFC000;
	s18 =	smov.u32 s19;
	s21 =	sadd.s32 $0x200, s19  }
0x25: {  	[tilespmem:s14], [sflag:$0x1] =	stream.indirect.gather [hbm4b:s0+s13], $0x80, s20, s13, $0xb8;
	[tilespmem:$0x1CC00] =	vst v63  }
0x26: {  	p0 =	sne.s32 s19, $0x9C00;
	_ =	swait.ge [sflag:s15], $0x4000  }
.Ltmp0:
0x27: {  	[sflag:s15] =	ssyncset.done $0x0;
	(pc) =	sbr.rel @p0 .LBB2_2-.Ltmp0, $4  }
0x28: {  	s19 =	sadd.s32 $0x2800, s20;
	[sflag:s15] =	ssyncadd.s32 $0xFFFFC000  }
0x29: {  	[spmem:s3] =	stream.indirect.scatter.add.f32 [tilespmem:s14], [sflag:$0x2], $0x80, s19, s13, $0xb8;
	[tilespmem:$0x1CC00] =	vst v63  }
0x2a: {  	_ =	swait.ge [sflag:s9], $0x4000  }
0x2b: {  	s19 =	smov.u32 s21;
	[sflag:s9] =	ssyncset.done $0x0  }
0x2c: {  	s18 =	sshra.s32 s18, $0x2;
	[sflag:s9] =	ssyncadd.s32 $0xFFFFC000  }
0x2d: {  	[tilespmem:s14], [sflag:$0x1] =	stream.indirect.gather [hbm4b:s0+s13], $0x80, s18, s13, $0xb8;
	[tilespmem:$0x1CC00] =	vst v63  }
0x2e: {  	_ =	swait.ge [sflag:s15], $0x4000  }
0x2f: {  	[sflag:s15] =	ssyncset.done $0x0  }
0x30: {  	s18 =	sadd.s32 $0x2800, s18;
	[sflag:s15] =	ssyncadd.s32 $0xFFFFC000  }
0x31: {  	[spmem:s3] =	stream.indirect.scatter.add.f32 [tilespmem:s14], [sflag:$0x2], $0x80, s18, s13, $0xb8;
	[tilespmem:$0x1CC00] =	vst v63  }
0x32: {  	_ =	swait.ge [sflag:s9], $0x4000  }
0x33: {  	s17 =	sadd.s32 $0x1, s17;
	[sflag:s9] =	ssyncset.done $0x0  }
0x34: {  	p0 =	sne.s32 s17, s8;
	[sflag:s9] =	ssyncadd.s32 $0xFFFFC000  }
.Ltmp1:
0x35: {  	[bflag:$0x0] =	sbarrier.arrive $0xFFFF;
	(pc) =	sbr.rel @p0 .LBB2_1-.Ltmp1, $4  }
0x36: {  	[hbm:s16], [sflag:s11] =	dma.local [spmem:s12], $0x2780  }
0x37: {  	_ =	swait.ge [sflag:s9], $0x2780  }
0x38: {  	[sflag:s9] =	ssyncset.done $0x0  }
0x39: {  	[sflag:s9] =	ssyncadd.s32 $0xFFFFD880  }
0x3a: {  	_ =	sfence.sel $0x180000  }
0x3b: {  	[bflag:$0x0] =	sbarrier.arrive $0xFFFF  }
0x3c: {  	p0 =	sne.s32 s2, $0x0;
	_ =	strace $0x9000004A  }
0x3d: {  	s0 =	sadd.s32 @!p0 $0x100000, s1;
	[bflag:$0x2] =	sbarrier.arrive $0xFFFF  }
0x3e: {  	[sflag:s0] =	ssyncadd.tile.s32 @!p0 $0x1;
	_ =	shalt  }
.Lfunc_end2:
_tile_overlayer_lowered:
.L_overlay_start_2:
0x3f: {  	(tag) =	ssettag $0x2  }
0x40: {  	s0 =	rddreg [dreg:$0x0];
	s2 =	stileid.u32  }
0x41: {  	s1 =	rddreg [dreg:$0x1];
	p0 =	sne.s32 s2, $0x0  }
0x42: {  	s3 =	rddreg [dreg:$0x2];
	[bflag:$0x3] =	sbarrier.arrive $0xFFFF;
	s2 =	simm.s32 @!p0 $0x1C02  }
0x43: {  	[timem:s3], [sflag:s2] =	dma.local @!p0 [hbm:s0], s1  }
0x44: {  	s0 =	simm.s32 @!p0 $0x2  }
0x45: {  	_ =	swait.ge @!p0 [sflag:s0], s1  }
0x46: {  	s1 =	ssub.s32 @!p0 $0x0, s1;
	[sflag:s0] =	ssyncset.done @!p0 $0x0  }
0x47: {  	[sflag:s0] =	ssyncadd.s32 @!p0 s1  }
0x48: {  	[bflag:$0x3] =	sbarrier.arrive $0xFFFF  }
0x49: {  	_ =	shalt  }

// kernel: kernel.20.cloned.1.call-start
scs
__scs_entry_jumppad:
0x0: {  	(pc) =	sbr.rel $0x88, $3  }
0x1: {  	(tag) =	ssettag $0x0;
	lr =	simm.s32 $0x1  }
0x2: {  	[smem:$0x3F85] =	sst lr;
	_ =	strace $0xD0000000  }
0x3: {  	_ = 	snop  }
0x4: {  	_ = 	snop  }
0x5: {  	_ = 	snop  }
0x6: {  	_ = 	snop  }
0x7: {  	_ = 	snop  }
__scs_overlays_trampoline_lowered:
0x8: {  	[smem:$0x3F94] =	sst s0  }
0x9: {  	[smem:$0x3F95] =	sst s1  }
0xa: {  	[smem:$0x3F96] =	sst s2  }
0xb: {  	[smem:$0x3F97] =	sst s3  }
0xc: {  	[smem:$0x3F98] =	sst s4  }
0xd: {  	[smem:$0x3F99] =	sst s5  }
0xe: {  	[smem:$0x3F9A] =	sst s6  }
0xf: {  	[smem:$0x3F9B] =	sst s7  }
0x10: {  	[smem:$0x3F9C] =	sst s8  }
0x11: {  	[smem:$0x3F9D] =	sst s9;
	s0 =	simm.s32 @!p0 $0x0  }
0x12: {  	s1 =	sld [smem:$0x3F83];
	s0 =	simm.s32 @p0 $0x1  }
0x13: {  	[smem:$0x3F9E] =	sst s0;
	s0 =	simm.s32 @!p1 $0x0  }
0x14: {  	s2 =	sld [smem:$0x3F82];
	s0 =	simm.s32 @p1 $0x1  }
0x15: {  	[smem:$0x3F9F] =	sst s0;
	s0 =	simm.s32 @!p2 $0x0  }
0x16: {  	s3 =	sld [smem:$0x3FDB];
	s0 =	simm.s32 @p2 $0x1  }
0x17: {  	s4 =	simm.s32 $0x1BF5;
	[smem:$0x3FA1] =	sst s0  }
0x18: {  	s0 =	sld [smem:$0x3F84];
	_ =	swait.ge [sflag:s4], $0x0  }
0x19: {  	s7 =	sld [smem:$0x3F85]  }
0x1a: {  	s8 =	sadd.s32 $0xFFFFE003, lr  }
0x1b: {  	s9 =	sadd.s32 $0xFFFFFEF7, lr;
	s5 =	simm.s32 $0xFFFFFFFF;
	p2 =	slt.u32 s8, $0xFFFFF086  }
0x1c: {  	p1 =	slt.u32 s9, $0xF7A;
	s5 =	simm.s32 @!p2 $0x0  }
0x1d: {  	s5 =	simm.s32 @p1 $0x1;
	p0 =	seq.s32 s7, s2  }
0x1e: {  	s7 =	smul.u32 @!p0 $0xF7A, s2;
	p2 =	seq.s32 @!p0 s5, $0x0  }
0x1f: {  	s9 =	smul.u32 $0xF7A, s1;
	s8 =	simm.s32 @!p0 $0x1BF5;
	p2 =	por !p2, p0  }
0x20: {  	[sflag:s8] =	ssyncset.s32 @!p0 $0xFFFFF086;
	s6 =	sadd.s32 @!p0 s3, s7;
	s7 =	simm.s32 @!p0 $0x108  }
0x21: {  	s3 =	sadd.s32 s3, s9;
	s6 =	sadd.s32 @!p0 $0x88, s6;
	s7 =	simm.s32 @p2 $0x1082  }
0x22: {  	[simem:s7], [sflag:s8] =	dma.local @!p0 [hbm:s6], $0xF7A  }
0x23: {  	s9 =	sor.u32 $0xD0000000, s2;
	s6 =	simm.s32 $0x108;
	_ =	swait.ge @!p0 [sflag:s8], $0x0  }
0x24: {  	s3 =	sadd.s32 $0x88, s3;
	s6 =	simm.s32 @!p1 $0x1082;
	[sflag:s4] =	ssyncset.s32 $0xFFFFF086  }
0x25: {  	[simem:s6], [sflag:s4] =	dma.local [hbm:s3], $0xF7A  }
0x26: {  	[smem:$0x3F85] =	sst s1;
	(tag) =	ssettag s2;
	_ =	strace s9  }
0x27: {  	s1 =	sld [smem:$0x3F95]  }
0x28: {  	s2 =	sld [smem:$0x3F96]  }
0x29: {  	s4 =	sld [smem:$0x3F98]  }
0x2a: {  	p0 =	seq.s32 s5, $0x0;
	s5 =	sld [smem:$0x3F99]  }
0x2b: {  	s6 =	sld [smem:$0x3F9A]  }
0x2c: {  	s7 =	sld [smem:$0x3F9B]  }
0x2d: {  	s3 =	simm.s32 $0x108;
	s8 =	sld [smem:$0x3F9C]  }
0x2e: {  	s3 =	simm.s32 @!p0 $0x1082;
	s9 =	sld [smem:$0x3F9D]  }
0x2f: {  	lr =	sadd.s32 s0, s3;
	s0 =	sld [smem:$0x3F94]  }
0x30: {  	s3 =	sld [smem:$0x3F97]  }
0x31: {  	[smem:$0x3FA0] =	sst s10  }
0x32: {  	s10 =	sld [smem:$0x3F9E];
	_ =	sdelay $0x3  }
0x33: {  	p0 =	seq.s32 s10, $0x1;
	s10 =	sld [smem:$0x3FA0];
	_ =	sdelay $0x3  }
0x34: {  	[smem:$0x3FA0] =	sst s10  }
0x35: {  	s10 =	sld [smem:$0x3F9F];
	_ =	sdelay $0x3  }
0x36: {  	p1 =	seq.s32 s10, $0x1;
	s10 =	sld [smem:$0x3FA0];
	_ =	sdelay $0x3  }
0x37: {  	[smem:$0x3FA0] =	sst s10  }
0x38: {  	s10 =	sld [smem:$0x3FA1]  }
0x39: {  	_ = 	snop;
	(pc) =	sbr.ind lr, $3  }
0x3a: {  	_ = 	snop  }
0x3b: {  	_ = 	snop  }
0x3c: {  	p2 =	seq.s32 s10, $0x1;
	s10 =	sld [smem:$0x3FA0]  }
0x3d: {  	_ =	shalt  }
0x3e: {  	_ =	shalt  }
0x3f: {  	_ =	shalt  }
0x40: {  	_ =	shalt  }
0x41: {  	_ =	shalt  }
0x42: {  	_ =	shalt  }
0x43: {  	_ =	shalt  }
0x44: {  	_ =	shalt  }
0x45: {  	_ =	shalt  }
0x46: {  	_ =	shalt  }
0x47: {  	_ =	shalt  }
0x48: {  	_ =	shalt  }
0x49: {  	_ =	shalt  }
0x4a: {  	_ =	shalt  }
0x4b: {  	_ =	shalt  }
0x4c: {  	_ =	shalt  }
0x4d: {  	_ =	shalt  }
0x4e: {  	_ =	shalt  }
0x4f: {  	_ =	shalt  }
0x50: {  	_ =	shalt  }
0x51: {  	_ =	shalt  }
0x52: {  	_ =	shalt  }
0x53: {  	_ =	shalt  }
0x54: {  	_ =	shalt  }
0x55: {  	_ =	shalt  }
0x56: {  	_ =	shalt  }
0x57: {  	_ =	shalt  }
0x58: {  	_ =	shalt  }
0x59: {  	_ =	shalt  }
0x5a: {  	_ =	shalt  }
0x5b: {  	_ =	shalt  }
0x5c: {  	_ =	shalt  }
0x5d: {  	_ =	shalt  }
0x5e: {  	_ =	shalt  }
0x5f: {  	_ =	shalt  }
0x60: {  	_ =	shalt  }
0x61: {  	_ =	shalt  }
0x62: {  	_ =	shalt  }
0x63: {  	_ =	shalt  }
0x64: {  	_ =	shalt  }
0x65: {  	_ =	shalt  }
0x66: {  	_ =	shalt  }
0x67: {  	_ =	shalt  }
0x68: {  	_ =	shalt  }
0x69: {  	_ =	shalt  }
0x6a: {  	_ =	shalt  }
0x6b: {  	_ =	shalt  }
0x6c: {  	_ =	shalt  }
0x6d: {  	_ =	shalt  }
0x6e: {  	_ =	shalt  }
0x6f: {  	_ =	shalt  }
0x70: {  	_ =	shalt  }
0x71: {  	_ =	shalt  }
0x72: {  	_ =	shalt  }
0x73: {  	_ =	shalt  }
0x74: {  	_ =	shalt  }
0x75: {  	_ =	shalt  }
0x76: {  	_ =	shalt  }
0x77: {  	_ =	shalt  }
0x78: {  	_ =	shalt  }
0x79: {  	_ =	shalt  }
0x7a: {  	_ =	shalt  }
0x7b: {  	_ =	shalt  }
0x7c: {  	_ =	shalt  }
0x7d: {  	_ =	shalt  }
0x7e: {  	_ =	shalt  }
0x7f: {  	_ =	shalt  }
0x80: {  	_ =	shalt  }
0x81: {  	_ =	shalt  }
0x82: {  	_ =	shalt  }
0x83: {  	_ =	shalt  }
0x84: {  	_ =	shalt  }
0x85: {  	_ =	shalt  }
0x86: {  	_ =	shalt  }
0x87: {  	_ =	shalt  }
.Lfunc_end0:
.L_simem_size_0:
called_computation.2_lowered:
.L_overlay_start_0:
0x88: {  	s2 =	sld [smem:$0x3FD9]  }
0x89: {  	s3 =	sld [smem:$0x3FFE];
	_ =	sdelay $0x1  }
0x8a: {  	s1 =	srdreg.scid  }
0x8b: {  	s0 =	sand.u32 $0x1, s1  }
0x8c: {  	s14 =	sshll.u32 s0, $0xA;
	s2 =	sadd.s32 s3, s2  }
0x8d: {  	s2 =	sadd.s32 s2, s14  }
0x8e: {  	[smem:$0x3FAC] =	sst s2  }
0x8f: {  	_ = 	snop  }
0x90: {  	s2 =	sld [smem:$0x3FD0];
	_ =	sdelay $0x2  }
0x91: {  	s15 =	simm.s32 $0xA;
	s4 =	simm.s32 $0x10  }
0x92: {  	[smem:s4], [sflag:s15] =	dma.local [hbm:s2], $0x1  }
0x93: {  	_ =	swait.eq [sflag:s15], $0x1  }
0x94: {  	[sflag:s15] =	ssyncset.done $0x0  }
0x95: {  	[sflag:s15] =	ssyncadd.s32 $0xFFFFFFFF  }
0x96: {  	s16 =	sld [smem:$0x12];
	(tm) =	ssettm $0x1  }
0x97: {  	s17 =	sld [smem:$0x3FFB];
	_ =	sdelay $0x3  }
0x98: {  	_ =	strace s17  }
0x99: {  	s3 =	sld [smem:$0x3FFC];
	_ =	sdelay $0x3  }
0x9a: {  	_ =	strace s3  }
0x9b: {  	s3 =	sld [smem:$0x3FFD];
	_ =	sdelay $0x3  }
0x9c: {  	_ =	strace s3  }
0x9d: {  	_ =	strace $0x8FFFFFFF  }
0x9e: {  	s18 =	sld [smem:$0x3FDB];
	_ =	sdelay $0x1  }
0x9f: {  	s19 =	simm.s32 $_scs_section_size  }
0xa0: {  	s5 =	simm.s32 $_size__tile_overlayer_lowered;
	s6 =	simm.s32 $_tile_overlayer_lowered  }
0xa1: {  	s22 =	simm.s32 $0x1BFF;
	s21 =	sshll.u32 s6, $0x1;
	s3 =	sadd.s32 s19, s18  }
0xa2: {  	s7 =	simm.s32 $0x0;
	s20 =	sshll.u32 s5, $0x1;
	s5 =	sadd.s32 s21, s3  }
0xa3: {  	[timem:s7], [sflag:s22] =	dma.local [hbm:s5], s20  }
0xa4: {  	_ =	swait.ge [sflag:s22], s20  }
0xa5: {  	s4 =	ssub.s32 $0x0, s20;
	[sflag:s22] =	ssyncset.done $0x0  }
0xa6: {  	[sflag:s22] =	ssyncadd.s32 s4;
	_ =	sdelay $0x1  }
0xa7: {  	s23 =	simm.s32 $0x1B8B  }
0xa8: {  	_ =	swait.ge [sflag:s23], $0x1  }
0xa9: {  	[sflag:s23] =	ssyncset.done $0x0  }
0xaa: {  	s25 =	simm.s32 $0x1B8E;
	s24 =	sld [smem:$0x3FFE];
	[sflag:s23] =	ssyncadd.s32 $0xFFFFFFFF  }
0xab: {  	s26 =	simm.s32 $execute0_lowered;
	[smem:$0x3FD2] =	sst s25  }
0xac: {  	s5 =	sshll.u32 s26, $0x1;
	_ =	strace $0x8000004C;
	[dreg:$0x1] =	wrdreg $0xFFFFFFFF  }
0xad: {  	s28 =	simm.s32 $_size_execute0_lowered;
	s3 =	sadd.s32 s3, s5;
	[dreg:$0x0] =	wrdreg $0x0  }
0xae: {  	s5 =	sshll.u32 s28, $0x1;
	[dreg:$0x2] =	wrdreg s3  }
0xaf: {  	[dreg:$0x3] =	wrdreg s5  }
0xb0: {  	[dreg:$0x4] =	wrdreg $0xC0  }
0xb1: {  	_ =	task [dreg:s7], $0x5FFFF  }
0xb2: {  	[dreg:$0x1] =	wrdreg $0xFFFFFFFF  }
0xb3: {  	[dreg:$0x0] =	wrdreg $0x60  }
0xb4: {  	[dreg:$0x2] =	wrdreg s16  }
0xb5: {  	[dreg:$0x3] =	wrdreg s24  }
0xb6: {  	[dreg:$0x4] =	wrdreg $0x90000  }
0xb7: {  	[dreg:$0x5] =	wrdreg $0x9  }
0xb8: {  	_ =	task.clear_ibuf [dreg:s7], $0x6FFFF;
	_ =	strace $0x9000004C  }
0xb9: {  	s29 =	simm.s32 $0x9;
	_ =	strace $0x8000004E  }
0xba: {  	_ =	swait.ge [sflag:s29], $0x1  }
0xbb: {  	[sflag:s29] =	ssyncadd.s32 $0xFFFFFFFF  }
0xbc: {  	_ =	strace $0x9000004E  }
0xbd: {  	_ =	sfence  }
0xbe: {  	s30 =	sld [smem:$0x0];
	_ =	sdelay $0x2  }
0xbf: {  	s31 =	sshll.u32 s1, $0xD;
	s1 =	sshrl.u32 s1, $0x2  }
0xc0: {  	s3 =	sand.u32 $0x4000, s31;
	s1 =	sadd.s32 s1, s30  }
0xc1: {  	s0 =	sor.u32 s3, s0;
	s1 =	sshll.u32 s1, $0x11  }
0xc2: {  	s0 =	sor.u32 s1, s0  }
0xc3: {  	s0 =	sadd.s32 $0x8F2B, s0  }
0xc4: {  	[sflag:s0] =	ssyncadd.remote.s32 $0x1  }
0xc5: {  	_ =	sfence.sel $0xFFFF  }
0xc6: {  	[dreg:$0x0] =	wrdreg $0xFFFFFFFF;
	(pc) =	sbr.abs _section_cstart, $3  }
0xc7: {  	[dreg:$0x1] =	wrdreg $0xFFFFFFFF  }
0xc8: {  	_ =	task.clear_ibuf [dreg:s7], $0x2FFFF;
	_ =	strace $0x9FFFFFFF  }
0xc9: {  	(tm) =	ssettm $0x7FFFFFFF  }
tec
execute0_lowered:
.L_overlay_start_1:
0x0: {  	(tag) =	ssettag $0x1  }
0x1: {  	s0 =	rddreg [dreg:$0x0]  }
0x2: {  	s1 =	srdreg.scid;
	s6 =	rddreg [dreg:$0x1]  }
0x3: {  	s3 =	rddreg [dreg:$0x2];
	s2 =	stileid.u32  }
0x4: {  	s4 =	simm.s32 $0x0;
	s13 =	simm.s32 $0x80;
	s14 =	simm.s32 $0x5000  }
0x5: {  	s5 =	sand.u32 $0x1, s1;
	s1 =	rddreg [dreg:$0x3];
	s10 =	smul.u32 $0x4F000, s2  }
0x6: {  	s15 =	simm.s32 $0x1;
	[smem:$0x7FF] =	sst s4;
	s17 =	smul.u32 $0x2780, s2  }
0x7: {  	s11 =	sshll.u32 s2, $0x6;
	s7 =	sshll.u32 s5, $0x4;
	_ =	strace $0x8000004D  }
0x8: {  	s8 =	smul.u32 $0x27800, s5;
	s9 =	ssub.s32 $0x2, s5;
	s5 =	sadd.s32 $0x19000, s6  }
0x9: {  	s11 =	sor.u32 $0x1C02, s11;
	s7 =	sor.u32 s2, s7;
	s31 =	sshrl.u32 s9, $0x1  }
0xa: {  	s10 =	sshrl.u32 s10, $0x2;
	s7 =	smul.u32 $0x500, s7;
	s8 =	sadd.s32 s8, s6  }
0xb: {  	s9 =	ssub.s32 s9, s31;
	s12 =	sadd.s32 s10, s3;
	s10 =	simm.s32 $0x2800  }
0xc: {  	s16 =	sadd.s32 $0x1B800, s8;
	s8 =	smax.u32 s9, $0x1;
	s9 =	simm.s32 $0x2  }
0xd: {  	s12 =	sshrl.u32 s12, $0x3;
	s7 =	sadd.s32 s7, s6;
	s16 =	sadd.s32 s17, s16  }
0xe: {  	s17 =	simm.s32 $0x0;
	s6 =	sadd.s32 $0x5000, s7;
	s7 =	sadd.s32 $0xF000, s7  }
.LBB2_1:
0xf: {  	[tilespmem:s4], [sflag:$0x2] =	stream.linear.gather [hbm4b:s6+s4], $0x2780, $0x38;
	[tilespmem:$0x1CC00] =	vst v63  }
0x10: {  	_ =	swait.ge [sflag:s9], $0x2780  }
0x11: {  	[sflag:s9] =	ssyncset.done $0x0  }
0x12: {  	[sflag:s9] =	ssyncadd.s32 $0xFFFFD880  }
0x13: {  	[tilespmem:s10], [sflag:$0x2] =	stream.linear.gather [hbm4b:s7+s4], $0x2780, $0x38;
	[tilespmem:$0x1CC00] =	vst v63  }
0x14: {  	_ =	swait.ge [sflag:s9], $0x2780  }
0x15: {  	[sflag:s9] =	ssyncset.done $0x0  }
0x16: {  	[sflag:s9] =	ssyncadd.s32 $0xFFFFD880  }
0x17: {  	[spmem:s12], [sflag:s11] =	dma.local [hbm:s5], $0x2780  }
0x18: {  	_ =	swait.ge [sflag:s9], $0x2780  }
0x19: {  	[sflag:s9] =	ssyncset.done $0x0  }
0x1a: {  	[sflag:s9] =	ssyncadd.s32 $0xFFFFD880  }
0x1b: {  	s18 =	simm.s32 $0x0;
	[bflag:$0x0] =	sbarrier.arrive $0xFFFF  }
0x1c: {  	[tilespmem:s14], [sflag:$0x1] =	stream.indirect.gather [hbm4b:s0+s13], $0x80, s18, s13, $0xb8;
	[tilespmem:$0x1CC00] =	vst v63  }
0x1d: {  	_ =	swait.ge [sflag:s15], $0x4000  }
0x1e: {  	[sflag:s15] =	ssyncset.done $0x0  }
0x1f: {  	s31 =	simm.s32 $0x2800;
	[sflag:s15] =	ssyncadd.s32 $0xFFFFC000  }
0x20: {  	[spmem:s3] =	stream.indirect.scatter.add.f32 [tilespmem:s14], [sflag:$0x2], $0x80, s31, s13, $0xb8;
	[tilespmem:$0x1CC00] =	vst v63  }
0x21: {  	_ =	swait.ge [sflag:s9], $0x4000  }
0x22: {  	s19 =	simm.s32 $0x400;
	s18 =	simm.s32 $0x200;
	[sflag:s9] =	ssyncset.done $0x0  }
.LBB2_2:
0x23: {  	s20 =	sshra.s32 s18, $0x2  }
0x24: {  	[sflag:s9] =	ssyncadd.s32 $0xFFFFC000;
	s18 =	smov.u32 s19;
	s21 =	sadd.s32 $0x200, s19  }
0x25: {  	[tilespmem:s14], [sflag:$0x1] =	stream.indirect.gather [hbm4b:s0+s13], $0x80, s20, s13, $0xb8;
	[tilespmem:$0x1CC00] =	vst v63  }
0x26: {  	p0 =	sne.s32 s19, $0x9C00;
	_ =	swait.ge [sflag:s15], $0x4000  }
.Ltmp0:
0x27: {  	[sflag:s15] =	ssyncset.done $0x0;
	(pc) =	sbr.rel @p0 .LBB2_2-.Ltmp0, $4  }
0x28: {  	s19 =	sadd.s32 $0x2800, s20;
	[sflag:s15] =	ssyncadd.s32 $0xFFFFC000  }
0x29: {  	[spmem:s3] =	stream.indirect.scatter.add.f32 [tilespmem:s14], [sflag:$0x2], $0x80, s19, s13, $0xb8;
	[tilespmem:$0x1CC00] =	vst v63  }
0x2a: {  	_ =	swait.ge [sflag:s9], $0x4000  }
0x2b: {  	s19 =	smov.u32 s21;
	[sflag:s9] =	ssyncset.done $0x0  }
0x2c: {  	s18 =	sshra.s32 s18, $0x2;
	[sflag:s9] =	ssyncadd.s32 $0xFFFFC000  }
0x2d: {  	[tilespmem:s14], [sflag:$0x1] =	stream.indirect.gather [hbm4b:s0+s13], $0x80, s18, s13, $0xb8;
	[tilespmem:$0x1CC00] =	vst v63  }
0x2e: {  	_ =	swait.ge [sflag:s15], $0x4000  }
0x2f: {  	[sflag:s15] =	ssyncset.done $0x0  }
0x30: {  	s18 =	sadd.s32 $0x2800, s18;
	[sflag:s15] =	ssyncadd.s32 $0xFFFFC000  }
0x31: {  	[spmem:s3] =	stream.indirect.scatter.add.f32 [tilespmem:s14], [sflag:$0x2], $0x80, s18, s13, $0xb8;
	[tilespmem:$0x1CC00] =	vst v63  }
0x32: {  	_ =	swait.ge [sflag:s9], $0x4000  }
0x33: {  	s17 =	sadd.s32 $0x1, s17;
	[sflag:s9] =	ssyncset.done $0x0  }
0x34: {  	p0 =	sne.s32 s17, s8;
	[sflag:s9] =	ssyncadd.s32 $0xFFFFC000  }
.Ltmp1:
0x35: {  	[bflag:$0x0] =	sbarrier.arrive $0xFFFF;
	(pc) =	sbr.rel @p0 .LBB2_1-.Ltmp1, $4  }
0x36: {  	[hbm:s16], [sflag:s11] =	dma.local [spmem:s12], $0x2780  }
0x37: {  	_ =	swait.ge [sflag:s9], $0x2780  }
0x38: {  	[sflag:s9] =	ssyncset.done $0x0  }
0x39: {  	[sflag:s9] =	ssyncadd.s32 $0xFFFFD880  }
0x3a: {  	_ =	sfence.sel $0x180000  }
0x3b: {  	[bflag:$0x0] =	sbarrier.arrive $0xFFFF  }
0x3c: {  	p0 =	sne.s32 s2, $0x0;
	_ =	strace $0x9000004D  }
0x3d: {  	s0 =	sadd.s32 @!p0 $0x100000, s1;
	[bflag:$0x2] =	sbarrier.arrive $0xFFFF  }
0x3e: {  	[sflag:s0] =	ssyncadd.tile.s32 @!p0 $0x1;
	_ =	shalt  }
.Lfunc_end2:
_tile_overlayer_lowered:
.L_overlay_start_2:
0x3f: {  	(tag) =	ssettag $0x2  }
0x40: {  	s0 =	rddreg [dreg:$0x0];
	s2 =	stileid.u32  }
0x41: {  	s1 =	rddreg [dreg:$0x1];
	p0 =	sne.s32 s2, $0x0  }
0x42: {  	s3 =	rddreg [dreg:$0x2];
	[bflag:$0x3] =	sbarrier.arrive $0xFFFF;
	s2 =	simm.s32 @!p0 $0x1C02  }
0x43: {  	[timem:s3], [sflag:s2] =	dma.local @!p0 [hbm:s0], s1  }
0x44: {  	s0 =	simm.s32 @!p0 $0x2  }
0x45: {  	_ =	swait.ge @!p0 [sflag:s0], s1  }
0x46: {  	s1 =	ssub.s32 @!p0 $0x0, s1;
	[sflag:s0] =	ssyncset.done @!p0 $0x0  }
0x47: {  	[sflag:s0] =	ssyncadd.s32 @!p0 s1  }
0x48: {  	[bflag:$0x3] =	sbarrier.arrive $0xFFFF  }
0x49: {  	_ =	shalt  }

</sc_bundles>
